<compile_context>
chip_gen: v7x
topology: tpu7x:2x2x1
jax: 0.10.2.dev20260603
libtpu: 0.0.44.dev20260713+nightly
codegen_flags: <defaults>
</compile_context>

<pallas_src>
import functools
import math

import jax
import jax.numpy as jnp
from jax import lax
from jax.experimental import pallas as pl
from jax.experimental.pallas import tpu as pltpu
from jax.experimental.pallas import tpu_sc as plsc

NC = 2
NS = 16
NW = NC * NS
K = 128
BM = 1024


def _sc_mesh():
    return plsc.VectorSubcoreMesh(core_axis_name="c", subcore_axis_name="s",
                                  num_cores=NC, num_subcores=NS)


CHGRP = 1


def _make_deg_kernel(npad, nch):
    ept = nch * K

    @functools.partial(
        pl.kernel,
        out_type=jax.ShapeDtypeStruct((NC, npad, 16), jnp.float32),
        mesh=_sc_mesh(),
        scratch_types=[
            pltpu.VMEM((K,), jnp.int32),
            pltpu.VMEM((K, 16), jnp.float32),
            pltpu.VMEM_SHARED((npad, 16), jnp.float32),
        ],
    )
    def deg_kernel(dst_hbm, ones_hbm, z16_hbm, out_hbm,
                   dst_v, ones_v, acc_sh):
        cid = lax.axis_index("c")
        sid = lax.axis_index("s")
        wid = sid * NC + cid
        zrows = npad // NS
        pltpu.sync_copy(ones_hbm, ones_v)
        pltpu.sync_copy(z16_hbm.at[pl.ds(sid * zrows, zrows)],
                        acc_sh.at[pl.ds(sid * zrows, zrows)])
        plsc.subcore_barrier()
        base = wid * ept

        @pl.loop(0, ept, step=K)
        def _(e0):
            pltpu.sync_copy(dst_hbm.at[pl.ds(base + e0, K)], dst_v)
            pltpu.sync_copy(ones_v, acc_sh.at[dst_v], add=True)

        plsc.subcore_barrier()
        pltpu.sync_copy(acc_sh.at[pl.ds(sid * zrows, zrows)],
                        out_hbm.at[cid, pl.ds(sid * zrows, zrows)])

    return deg_kernel


def _make_agg_kernel(npad, d, nch):

    ept = nch * K

    @functools.partial(
        pl.kernel,
        out_type=jax.ShapeDtypeStruct((NC, npad, d), jnp.float32),
        mesh=_sc_mesh(),
        scratch_types=[
            pltpu.VMEM((K,), jnp.int32),
            pltpu.VMEM((K,), jnp.int32),
            pltpu.VMEM((K, d), jnp.float32),
            pltpu.VMEM_SHARED((npad, d), jnp.float32),
            pltpu.SemaphoreType.DMA,
        ],
    )
    def agg_kernel(hs_hbm, src_hbm, dst_hbm, zrow_hbm, out_hbm,
                   src_v, dst_v, rows_v, acc_sh, sem):
        cid = lax.axis_index("c")
        sid = lax.axis_index("s")
        wid = sid * NC + cid
        zrows = npad // NS
        pltpu.sync_copy(zrow_hbm.at[pl.ds(sid * zrows, zrows)],
                        acc_sh.at[pl.ds(sid * zrows, zrows)])
        plsc.subcore_barrier()
        base = wid * ept

        @pl.loop(0, ept, step=K)
        def _(e0):
            pltpu.sync_copy(src_hbm.at[pl.ds(base + e0, K)], src_v)
            pltpu.sync_copy(dst_hbm.at[pl.ds(base + e0, K)], dst_v)
            pltpu.async_copy(hs_hbm.at[src_v], rows_v, sem).wait()
            pltpu.sync_copy(rows_v, acc_sh.at[dst_v], add=True)

        plsc.subcore_barrier()
        pltpu.sync_copy(acc_sh.at[pl.ds(sid * zrows, zrows)],
                        out_hbm.at[cid, pl.ds(sid * zrows, zrows)])

    return agg_kernel


def _matmul(x, w):
    m, k = x.shape
    n = w.shape[1]

    def body(x_ref, w_ref, o_ref):
        o_ref[...] = jnp.dot(x_ref[...], w_ref[...],
                             preferred_element_type=jnp.float32)

    return pl.pallas_call(
        body,
        grid=(m // BM,),
        in_specs=[pl.BlockSpec((BM, k), lambda i: (i, 0)),
                  pl.BlockSpec((k, n), lambda i: (0, 0))],
        out_specs=pl.BlockSpec((BM, n), lambda i: (i, 0)),
        out_shape=jax.ShapeDtypeStruct((m, n), jnp.float32),
    )(x, w)


def _dis_hs(degp, h):
    npad, d = h.shape

    def body(degp_ref, h_ref, dis_ref, hs_ref):
        deg = degp_ref[0] + degp_ref[1] + 1.0
        dis = lax.rsqrt(deg)
        dis_ref[...] = dis
        hs_ref[...] = h_ref[...] * dis[:, :1]

    return pl.pallas_call(
        body,
        grid=(npad // BM,),
        in_specs=[pl.BlockSpec((NC, BM, 16), lambda i: (0, i, 0)),
                  pl.BlockSpec((BM, d), lambda i: (i, 0))],
        out_specs=[pl.BlockSpec((BM, 16), lambda i: (i, 0)),
                   pl.BlockSpec((BM, d), lambda i: (i, 0))],
        out_shape=[jax.ShapeDtypeStruct((npad, 16), jnp.float32),
                   jax.ShapeDtypeStruct((npad, d), jnp.float32)],
    )(degp, h)


def _layer_mid(accp, h, dis, b, w):
    npad, d = h.shape
    n2 = w.shape[1]

    def body(accp_ref, h_ref, dis_ref, b_ref, w_ref, h2_ref, hs2_ref):
        dis_c = dis_ref[...][:, :1]
        acc = accp_ref[0] + accp_ref[1]
        out1 = dis_c * acc + (dis_c * dis_c) * h_ref[...] + b_ref[...]
        x2 = jnp.maximum(out1, 0.0)
        h2 = jnp.dot(x2, w_ref[...], preferred_element_type=jnp.float32)
        h2_ref[...] = h2
        hs2_ref[...] = h2 * dis_c

    return pl.pallas_call(
        body,
        grid=(npad // BM,),
        in_specs=[pl.BlockSpec((NC, BM, d), lambda i: (0, i, 0)),
                  pl.BlockSpec((BM, d), lambda i: (i, 0)),
                  pl.BlockSpec((BM, 16), lambda i: (i, 0)),
                  pl.BlockSpec((1, d), lambda i: (0, 0)),
                  pl.BlockSpec((d, n2), lambda i: (0, 0))],
        out_specs=[pl.BlockSpec((BM, n2), lambda i: (i, 0)),
                   pl.BlockSpec((BM, n2), lambda i: (i, 0))],
        out_shape=[jax.ShapeDtypeStruct((npad, n2), jnp.float32),
                   jax.ShapeDtypeStruct((npad, n2), jnp.float32)],
    )(accp, h, dis, b, w)


def _layer_out(accp, h, dis, b, w_out, b_out):
    npad, d = h.shape
    n_out = w_out.shape[1]

    def body(accp_ref, h_ref, dis_ref, b_ref, w_ref, bo_ref, o_ref):
        dis_c = dis_ref[...][:, :1]
        acc = accp_ref[0] + accp_ref[1]
        out2 = dis_c * acc + (dis_c * dis_c) * h_ref[...] + b_ref[...]
        x3 = jnp.maximum(out2, 0.0)
        o_ref[...] = jnp.dot(x3, w_ref[...],
                             preferred_element_type=jnp.float32) + bo_ref[...]

    return pl.pallas_call(
        body,
        grid=(npad // BM,),
        in_specs=[pl.BlockSpec((NC, BM, d), lambda i: (0, i, 0)),
                  pl.BlockSpec((BM, d), lambda i: (i, 0)),
                  pl.BlockSpec((BM, 16), lambda i: (i, 0)),
                  pl.BlockSpec((1, d), lambda i: (0, 0)),
                  pl.BlockSpec((d, n_out), lambda i: (0, 0)),
                  pl.BlockSpec((1, n_out), lambda i: (0, 0))],
        out_specs=pl.BlockSpec((BM, n_out), lambda i: (i, 0)),
        out_shape=jax.ShapeDtypeStruct((npad, n_out), jnp.float32),
    )(accp, h, dis, b, w_out, b_out)


def kernel(x, edge_index, W1, b1, W2, b2, W_out, b_out):
    n, d = x.shape
    e = edge_index.shape[1]
    npad = ((n + 1 + BM - 1) // BM) * BM
    grp = CHGRP
    nch = ((e + NW * K - 1) // (NW * K) + grp - 1) // grp * grp
    epad = NW * K * nch

    x_pad = jnp.pad(x, ((0, npad - n), (0, 0)))
    src_flat = jnp.concatenate(
        [edge_index[0], jnp.zeros((epad - e,), jnp.int32)])
    dst_flat = jnp.concatenate(
        [edge_index[1], jnp.full((epad - e,), n, jnp.int32)])
    ones16 = jnp.ones((K, 16), jnp.float32)
    z16 = jnp.zeros((npad, 16), jnp.float32)
    zrow = jnp.zeros((npad, d), jnp.float32)

    deg_k = _make_deg_kernel(npad, nch)
    agg_k = _make_agg_kernel(npad, d, nch)

    degp = deg_k(dst_flat, ones16, z16)
    h1 = _matmul(x_pad, W1)
    dis, hs1 = _dis_hs(degp, h1)
    acc1 = agg_k(hs1, src_flat, dst_flat, zrow)
    h2, hs2 = _layer_mid(acc1, h1, dis, b1[None, :], W2)
    acc2 = agg_k(hs2, src_flat, dst_flat, zrow)
    out = _layer_out(acc2, h2, dis, b2[None, :], W_out, b_out[None, :])
    return out[:n]

# --- scband reference (transcript-rebuilt; emitter-appended) ---
"""Pipeline reference for scband-fixed-gcn-25967372271653 (READ-ONLY COPY).

The authoritative reference and input builder live on the scoring server;
editing this copy changes nothing except your own understanding.
"""

import jax, jax.numpy as jnp
import numpy as np

N = 10000
E = 320000
IN_DIM = 128
HID1 = 128
HID2 = 128
OUT_DIM = 64


def gcn_conv(x, edge_index, W, b):
    # PyG-style GCNConv: add self-loops, symmetric degree normalization,
    # linear transform, scatter-add aggregation, bias.
    n = x.shape[0]
    src = edge_index[0]
    dst = edge_index[1]
    loop = jnp.arange(n, dtype=src.dtype)
    src = jnp.concatenate([src, loop])
    dst = jnp.concatenate([dst, loop])
    ones = jnp.ones(src.shape[0], dtype=x.dtype)
    deg = jnp.zeros(n, dtype=x.dtype).at[dst].add(ones)
    deg_inv_sqrt = jnp.where(deg > 0, deg ** -0.5, 0.0)
    norm = deg_inv_sqrt[src] * deg_inv_sqrt[dst]
    h = x @ W
    msg = h[src] * norm[:, None]
    out = jnp.zeros((n, W.shape[1]), dtype=x.dtype).at[dst].add(msg)
    return out + b


def setup_inputs(seed: int = 0) -> dict:
    key = jax.random.key(seed)
    ks = jax.random.split(key, 8)
    x = jax.random.normal(ks[0], (N, IN_DIM), dtype=jnp.float32)
    edge_index = jax.random.randint(ks[1], (2, E), 0, N, dtype=jnp.int32)
    W1 = jax.random.normal(ks[2], (IN_DIM, HID1), dtype=jnp.float32) * (1.0 / np.sqrt(IN_DIM))
    b1 = jnp.zeros((HID1,), dtype=jnp.float32)
    W2 = jax.random.normal(ks[3], (HID1, HID2), dtype=jnp.float32) * (1.0 / np.sqrt(HID1))
    b2 = jnp.zeros((HID2,), dtype=jnp.float32)
    W_out = jax.random.normal(ks[4], (HID2, OUT_DIM), dtype=jnp.float32) * (1.0 / np.sqrt(HID2))
    b_out = jnp.zeros((OUT_DIM,), dtype=jnp.float32)
    return {"x": x, "edge_index": edge_index, "W1": W1, "b1": b1, "W2": W2, "b2": b2, "W_out": W_out, "b_out": b_out}


def reference(x, edge_index, W1, b1, W2, b2, W_out, b_out):
    h = gcn_conv(x, edge_index, W1, b1)
    h = jax.nn.relu(h)
    h = gcn_conv(h, edge_index, W2, b2)
    h = jax.nn.relu(h)
    out = h @ W_out + b_out
    return out

if __name__ == "__main__":
    import jax
    _d = setup_inputs()
    print(jax.jit(kernel)(*tuple(_d.values())))

</pallas_src>

<mosaic_0001>
#map = affine_map<(d0, d1) -> (0)>
#map1 = affine_map<(d0, d1) -> (0, 0)>
#map2 = affine_map<(d0, d1) -> (0, 0, 0)>
module attributes {stable_mosaic.version = 14 : i64} {
  func.func @deg_kernel(%arg0: i32, %arg1: i32, %arg2: memref<323584xi32, #tpu.memory_space<hbm>>, %arg3: memref<128x16xf32, #tpu.memory_space<hbm>>, %arg4: memref<10240x16xf32, #tpu.memory_space<hbm>>, %arg5: memref<2x10240x16xf32, #tpu.memory_space<hbm>>, %arg6: memref<128xi32, #tpu.memory_space<vmem>>, %arg7: memref<128x16xf32, #tpu.memory_space<vmem>>, %arg8: memref<10240x16xf32, #tpu.memory_space<vmem_shared>>) attributes {dimension_semantics = [#tpu.dimension_semantics<core_parallel>, #tpu.dimension_semantics<subcore_parallel>], iteration_bounds = array<i64: 2, 16>, scalar_prefetch = 0 : i64, scratch_operands = 3 : i64, tpu.core_type = #tpu.core_type<sc_vector_subcore>, window_params = [{transform_indices = #map}, {transform_indices = #map1}, {transform_indices = #map1}, {transform_indices = #map2}]} {
    %mul3A = arith.constant 2 : i32
    %mul3A_0 = arith.muli %arg1, %mul3A : i32
    %add3A = arith.addi %mul3A_0, %arg0 : i32
    "tpu.region"() ({
      %run_scoped3A = tpu.sem_alloc : memref<!tpu.dma_semaphore, #tpu.memory_space<semaphore_mem>>
      tpu.enqueue_dma source(%arg3 : memref<128x16xf32, #tpu.memory_space<hbm>>) target(%arg7 : memref<128x16xf32, #tpu.memory_space<vmem>>) target_semaphore(%run_scoped3A : memref<!tpu.dma_semaphore, #tpu.memory_space<semaphore_mem>>)
      tpu.wait_dma2 semaphore(%run_scoped3A : memref<!tpu.dma_semaphore, #tpu.memory_space<semaphore_mem>>) src(%arg3 : memref<128x16xf32, #tpu.memory_space<hbm>>) dst(%arg7 : memref<128x16xf32, #tpu.memory_space<vmem>>)
      tpu.yield
    }) : () -> ()
    %mul3A_1 = arith.constant 640 : i32
    %mul3A_2 = arith.muli %arg1, %mul3A_1 : i32
    %mul3A_3 = arith.constant 640 : i32
    %mul3A_4 = arith.muli %arg1, %mul3A_3 : i32
    "tpu.region"() ({
      %run_scoped3A = tpu.sem_alloc : memref<!tpu.dma_semaphore, #tpu.memory_space<semaphore_mem>>
      %dma_start3A = arith.constant 0 : i32
      %dma_start3A_16 = tpu.memref_slice %arg8[%mul3A_4, %dma_start3A] : memref<10240x16xf32, #tpu.memory_space<vmem_shared>> -> memref<640x16xf32, #tpu.memory_space<vmem_shared>>
      %dma_start3A_17 = arith.constant 0 : i32
      %dma_start3A_18 = tpu.memref_slice %arg4[%mul3A_2, %dma_start3A_17] : memref<10240x16xf32, #tpu.memory_space<hbm>> -> memref<640x16xf32, #tpu.memory_space<hbm>>
      tpu.enqueue_dma source(%dma_start3A_18 : memref<640x16xf32, #tpu.memory_space<hbm>>) target(%dma_start3A_16 : memref<640x16xf32, #tpu.memory_space<vmem_shared>>) target_semaphore(%run_scoped3A : memref<!tpu.dma_semaphore, #tpu.memory_space<semaphore_mem>>)
      %dma_wait3A = arith.constant 0 : i32
      %dma_wait3A_19 = tpu.memref_slice %arg8[%mul3A_4, %dma_wait3A] : memref<10240x16xf32, #tpu.memory_space<vmem_shared>> -> memref<640x16xf32, #tpu.memory_space<vmem_shared>>
      %dma_wait3A_20 = arith.constant 0 : i32
      %dma_wait3A_21 = tpu.memref_slice %arg4[%mul3A_2, %dma_wait3A_20] : memref<10240x16xf32, #tpu.memory_space<hbm>> -> memref<640x16xf32, #tpu.memory_space<hbm>>
      tpu.wait_dma2 semaphore(%run_scoped3A : memref<!tpu.dma_semaphore, #tpu.memory_space<semaphore_mem>>) src(%dma_wait3A_21 : memref<640x16xf32, #tpu.memory_space<hbm>>) dst(%dma_wait3A_19 : memref<640x16xf32, #tpu.memory_space<vmem_shared>>)
      tpu.yield
    }) : () -> ()
    %barrier3A = arith.constant 0 : index
    tpu.barrier barrier_id(%barrier3A)
    %mul3A_5 = arith.constant 10112 : i32
    %mul3A_6 = arith.muli %add3A, %mul3A_5 : i32
    %scan3A = arith.constant 0 : i32
    %scan3A_7 = arith.constant 79 : i32
    %scan3A_8 = arith.addi %scan3A, %scan3A_7 : i32
    %scan3A_9 = arith.constant 1 : i32
    scf.for %scan3A_16 = %scan3A to %scan3A_8 step %scan3A_9  : i32 {
      %mul3A_17 = arith.constant 128 : i32
      %mul3A_18 = arith.muli %scan3A_16, %mul3A_17 : i32
      %add3A_19 = arith.constant 0 : i32
      %add3A_20 = arith.addi %add3A_19, %mul3A_18 : i32
      %add3A_21 = arith.addi %mul3A_6, %add3A_20 : i32
      "tpu.region"() ({
        %run_scoped3A = tpu.sem_alloc : memref<!tpu.dma_semaphore, #tpu.memory_space<semaphore_mem>>
        %dma_start3A = tpu.memref_slice %arg2[%add3A_21] : memref<323584xi32, #tpu.memory_space<hbm>> -> memref<128xi32, #tpu.memory_space<hbm>>
        %dma_start3A_22 = tpu.memref_slice %arg2[%add3A_21] : memref<323584xi32, #tpu.memory_space<hbm>> -> memref<128xi32, #tpu.memory_space<hbm>>
        tpu.enqueue_dma source(%dma_start3A_22 : memref<128xi32, #tpu.memory_space<hbm>>) target(%arg6 : memref<128xi32, #tpu.memory_space<vmem>>) target_semaphore(%run_scoped3A : memref<!tpu.dma_semaphore, #tpu.memory_space<semaphore_mem>>)
        %dma_wait3A = tpu.memref_slice %arg2[%add3A_21] : memref<323584xi32, #tpu.memory_space<hbm>> -> memref<128xi32, #tpu.memory_space<hbm>>
        %dma_wait3A_23 = tpu.memref_slice %arg2[%add3A_21] : memref<323584xi32, #tpu.memory_space<hbm>> -> memref<128xi32, #tpu.memory_space<hbm>>
        tpu.wait_dma2 semaphore(%run_scoped3A : memref<!tpu.dma_semaphore, #tpu.memory_space<semaphore_mem>>) src(%dma_wait3A_23 : memref<128xi32, #tpu.memory_space<hbm>>) dst(%arg6 : memref<128xi32, #tpu.memory_space<vmem>>)
        tpu.yield
      }) : () -> ()
      "tpu.region"() ({
        %run_scoped3A = tpu.sem_alloc : memref<!tpu.dma_semaphore, #tpu.memory_space<semaphore_mem>>
        %dma_start3A = arith.constant 0 : i32
        %dma_start3A_22 = arith.constant 0 : i32
        %dma_start3A_23 = tpu.memref_slice %arg8[%dma_start3A, %dma_start3A_22] : memref<10240x16xf32, #tpu.memory_space<vmem_shared>> -> memref<10240x16xf32, #tpu.memory_space<vmem_shared>>
        tpu.enqueue_indirect_dma source(%arg7 : memref<128x16xf32, #tpu.memory_space<vmem>>) target(%dma_start3A_23 : memref<10240x16xf32, #tpu.memory_space<vmem_shared>>) offsets(%arg6 : memref<128xi32, #tpu.memory_space<vmem>>) semaphore(%run_scoped3A : memref<!tpu.dma_semaphore, #tpu.memory_space<semaphore_mem>>) {add = true}
        %dma_wait3A = arith.constant 0 : i32
        %dma_wait3A_24 = arith.constant 0 : i32
        %dma_wait3A_25 = tpu.memref_slice %arg8[%dma_wait3A, %dma_wait3A_24] : memref<10240x16xf32, #tpu.memory_space<vmem_shared>> -> memref<10240x16xf32, #tpu.memory_space<vmem_shared>>
        tpu.wait_indirect_dma semaphore(%run_scoped3A : memref<!tpu.dma_semaphore, #tpu.memory_space<semaphore_mem>>) src(%arg7 : memref<128x16xf32, #tpu.memory_space<vmem>>) dst(%dma_wait3A_25 : memref<10240x16xf32, #tpu.memory_space<vmem_shared>>)
        tpu.yield
      }) : () -> ()
    }
    %scan3A_10 = arith.constant 79 : i32
    %barrier3A_11 = arith.constant 0 : index
    tpu.barrier barrier_id(%barrier3A_11)
    %mul3A_12 = arith.constant 640 : i32
    %mul3A_13 = arith.muli %arg1, %mul3A_12 : i32
    %mul3A_14 = arith.constant 640 : i32
    %mul3A_15 = arith.muli %arg1, %mul3A_14 : i32
    "tpu.region"() ({
      %run_scoped3A = tpu.sem_alloc : memref<!tpu.dma_semaphore, #tpu.memory_space<semaphore_mem>>
      %dma_start3A = arith.constant 0 : i32
      %dma_start3A_16 = tpu.memref_slice %arg5[%arg0, %mul3A_15, %dma_start3A] : memref<2x10240x16xf32, #tpu.memory_space<hbm>> -> memref<1x640x16xf32, #tpu.memory_space<hbm>>
      %dma_start3A_17 = tpu.memref_squeeze %dma_start3A_16 : memref<1x640x16xf32, #tpu.memory_space<hbm>> -> memref<640x16xf32, #tpu.memory_space<hbm>>
      %dma_start3A_18 = arith.constant 0 : i32
      %dma_start3A_19 = tpu.memref_slice %arg8[%mul3A_13, %dma_start3A_18] : memref<10240x16xf32, #tpu.memory_space<vmem_shared>> -> memref<640x16xf32, #tpu.memory_space<vmem_shared>>
      tpu.enqueue_dma source(%dma_start3A_19 : memref<640x16xf32, #tpu.memory_space<vmem_shared>>) target(%dma_start3A_17 : memref<640x16xf32, #tpu.memory_space<hbm>>) target_semaphore(%run_scoped3A : memref<!tpu.dma_semaphore, #tpu.memory_space<semaphore_mem>>)
      %dma_wait3A = arith.constant 0 : i32
      %dma_wait3A_20 = tpu.memref_slice %arg5[%arg0, %mul3A_15, %dma_wait3A] : memref<2x10240x16xf32, #tpu.memory_space<hbm>> -> memref<1x640x16xf32, #tpu.memory_space<hbm>>
      %dma_wait3A_21 = tpu.memref_squeeze %dma_wait3A_20 : memref<1x640x16xf32, #tpu.memory_space<hbm>> -> memref<640x16xf32, #tpu.memory_space<hbm>>
      %dma_wait3A_22 = arith.constant 0 : i32
      %dma_wait3A_23 = tpu.memref_slice %arg8[%mul3A_13, %dma_wait3A_22] : memref<10240x16xf32, #tpu.memory_space<vmem_shared>> -> memref<640x16xf32, #tpu.memory_space<vmem_shared>>
      tpu.wait_dma2 semaphore(%run_scoped3A : memref<!tpu.dma_semaphore, #tpu.memory_space<semaphore_mem>>) src(%dma_wait3A_23 : memref<640x16xf32, #tpu.memory_space<vmem_shared>>) dst(%dma_wait3A_21 : memref<640x16xf32, #tpu.memory_space<hbm>>)
      tpu.yield
    }) : () -> ()
    return
  }
}

#map = affine_map<(d0, d1) -> (0, 0)>
#map1 = affine_map<(d0, d1) -> (0)>
#map2 = affine_map<(d0, d1) -> (0, 0, 0)>
module attributes {stable_mosaic.version = 14 : i64} {
  func.func @agg_kernel(%arg0: i32, %arg1: i32, %arg2: memref<10240x128xf32, #tpu.memory_space<hbm>>, %arg3: memref<323584xi32, #tpu.memory_space<hbm>>, %arg4: memref<323584xi32, #tpu.memory_space<hbm>>, %arg5: memref<10240x128xf32, #tpu.memory_space<hbm>>, %arg6: memref<2x10240x128xf32, #tpu.memory_space<hbm>>, %arg7: memref<128xi32, #tpu.memory_space<vmem>>, %arg8: memref<128xi32, #tpu.memory_space<vmem>>, %arg9: memref<128x128xf32, #tpu.memory_space<vmem>>, %arg10: memref<10240x128xf32, #tpu.memory_space<vmem_shared>>, %arg11: memref<!tpu.dma_semaphore, #tpu.memory_space<semaphore_mem>>) attributes {dimension_semantics = [#tpu.dimension_semantics<core_parallel>, #tpu.dimension_semantics<subcore_parallel>], iteration_bounds = array<i64: 2, 16>, scalar_prefetch = 0 : i64, scratch_operands = 5 : i64, tpu.core_type = #tpu.core_type<sc_vector_subcore>, window_params = [{transform_indices = #map}, {transform_indices = #map1}, {transform_indices = #map1}, {transform_indices = #map}, {transform_indices = #map2}]} {
    %mul3A = arith.constant 2 : i32
    %mul3A_0 = arith.muli %arg1, %mul3A : i32
    %add3A = arith.addi %mul3A_0, %arg0 : i32
    %mul3A_1 = arith.constant 640 : i32
    %mul3A_2 = arith.muli %arg1, %mul3A_1 : i32
    %mul3A_3 = arith.constant 640 : i32
    %mul3A_4 = arith.muli %arg1, %mul3A_3 : i32
    "tpu.region"() ({
      %run_scoped3A = tpu.sem_alloc : memref<!tpu.dma_semaphore, #tpu.memory_space<semaphore_mem>>
      %dma_start3A = arith.constant 0 : i32
      %dma_start3A_16 = tpu.memref_slice %arg10[%mul3A_4, %dma_start3A] : memref<10240x128xf32, #tpu.memory_space<vmem_shared>> -> memref<640x128xf32, #tpu.memory_space<vmem_shared>>
      %dma_start3A_17 = arith.constant 0 : i32
      %dma_start3A_18 = tpu.memref_slice %arg5[%mul3A_2, %dma_start3A_17] : memref<10240x128xf32, #tpu.memory_space<hbm>> -> memref<640x128xf32, #tpu.memory_space<hbm>>
      tpu.enqueue_dma source(%dma_start3A_18 : memref<640x128xf32, #tpu.memory_space<hbm>>) target(%dma_start3A_16 : memref<640x128xf32, #tpu.memory_space<vmem_shared>>) target_semaphore(%run_scoped3A : memref<!tpu.dma_semaphore, #tpu.memory_space<semaphore_mem>>)
      %dma_wait3A = arith.constant 0 : i32
      %dma_wait3A_19 = tpu.memref_slice %arg10[%mul3A_4, %dma_wait3A] : memref<10240x128xf32, #tpu.memory_space<vmem_shared>> -> memref<640x128xf32, #tpu.memory_space<vmem_shared>>
      %dma_wait3A_20 = arith.constant 0 : i32
      %dma_wait3A_21 = tpu.memref_slice %arg5[%mul3A_2, %dma_wait3A_20] : memref<10240x128xf32, #tpu.memory_space<hbm>> -> memref<640x128xf32, #tpu.memory_space<hbm>>
      tpu.wait_dma2 semaphore(%run_scoped3A : memref<!tpu.dma_semaphore, #tpu.memory_space<semaphore_mem>>) src(%dma_wait3A_21 : memref<640x128xf32, #tpu.memory_space<hbm>>) dst(%dma_wait3A_19 : memref<640x128xf32, #tpu.memory_space<vmem_shared>>)
      tpu.yield
    }) : () -> ()
    %barrier3A = arith.constant 0 : index
    tpu.barrier barrier_id(%barrier3A)
    %mul3A_5 = arith.constant 10112 : i32
    %mul3A_6 = arith.muli %add3A, %mul3A_5 : i32
    %scan3A = arith.constant 0 : i32
    %scan3A_7 = arith.constant 79 : i32
    %scan3A_8 = arith.addi %scan3A, %scan3A_7 : i32
    %scan3A_9 = arith.constant 1 : i32
    scf.for %scan3A_16 = %scan3A to %scan3A_8 step %scan3A_9  : i32 {
      %mul3A_17 = arith.constant 128 : i32
      %mul3A_18 = arith.muli %scan3A_16, %mul3A_17 : i32
      %add3A_19 = arith.constant 0 : i32
      %add3A_20 = arith.addi %add3A_19, %mul3A_18 : i32
      %add3A_21 = arith.addi %mul3A_6, %add3A_20 : i32
      "tpu.region"() ({
        %run_scoped3A = tpu.sem_alloc : memref<!tpu.dma_semaphore, #tpu.memory_space<semaphore_mem>>
        %dma_start3A_27 = tpu.memref_slice %arg3[%add3A_21] : memref<323584xi32, #tpu.memory_space<hbm>> -> memref<128xi32, #tpu.memory_space<hbm>>
        %dma_start3A_28 = tpu.memref_slice %arg3[%add3A_21] : memref<323584xi32, #tpu.memory_space<hbm>> -> memref<128xi32, #tpu.memory_space<hbm>>
        tpu.enqueue_dma source(%dma_start3A_28 : memref<128xi32, #tpu.memory_space<hbm>>) target(%arg7 : memref<128xi32, #tpu.memory_space<vmem>>) target_semaphore(%run_scoped3A : memref<!tpu.dma_semaphore, #tpu.memory_space<semaphore_mem>>)
        %dma_wait3A_29 = tpu.memref_slice %arg3[%add3A_21] : memref<323584xi32, #tpu.memory_space<hbm>> -> memref<128xi32, #tpu.memory_space<hbm>>
        %dma_wait3A_30 = tpu.memref_slice %arg3[%add3A_21] : memref<323584xi32, #tpu.memory_space<hbm>> -> memref<128xi32, #tpu.memory_space<hbm>>
        tpu.wait_dma2 semaphore(%run_scoped3A : memref<!tpu.dma_semaphore, #tpu.memory_space<semaphore_mem>>) src(%dma_wait3A_30 : memref<128xi32, #tpu.memory_space<hbm>>) dst(%arg7 : memref<128xi32, #tpu.memory_space<vmem>>)
        tpu.yield
      }) : () -> ()
      %add3A_22 = arith.addi %mul3A_6, %add3A_20 : i32
      "tpu.region"() ({
        %run_scoped3A = tpu.sem_alloc : memref<!tpu.dma_semaphore, #tpu.memory_space<semaphore_mem>>
        %dma_start3A_27 = tpu.memref_slice %arg4[%add3A_22] : memref<323584xi32, #tpu.memory_space<hbm>> -> memref<128xi32, #tpu.memory_space<hbm>>
        %dma_start3A_28 = tpu.memref_slice %arg4[%add3A_22] : memref<323584xi32, #tpu.memory_space<hbm>> -> memref<128xi32, #tpu.memory_space<hbm>>
        tpu.enqueue_dma source(%dma_start3A_28 : memref<128xi32, #tpu.memory_space<hbm>>) target(%arg8 : memref<128xi32, #tpu.memory_space<vmem>>) target_semaphore(%run_scoped3A : memref<!tpu.dma_semaphore, #tpu.memory_space<semaphore_mem>>)
        %dma_wait3A_29 = tpu.memref_slice %arg4[%add3A_22] : memref<323584xi32, #tpu.memory_space<hbm>> -> memref<128xi32, #tpu.memory_space<hbm>>
        %dma_wait3A_30 = tpu.memref_slice %arg4[%add3A_22] : memref<323584xi32, #tpu.memory_space<hbm>> -> memref<128xi32, #tpu.memory_space<hbm>>
        tpu.wait_dma2 semaphore(%run_scoped3A : memref<!tpu.dma_semaphore, #tpu.memory_space<semaphore_mem>>) src(%dma_wait3A_30 : memref<128xi32, #tpu.memory_space<hbm>>) dst(%arg8 : memref<128xi32, #tpu.memory_space<vmem>>)
        tpu.yield
      }) : () -> ()
      %dma_start3A = arith.constant 0 : i32
      %dma_start3A_23 = arith.constant 0 : i32
      %dma_start3A_24 = tpu.memref_slice %arg2[%dma_start3A, %dma_start3A_23] : memref<10240x128xf32, #tpu.memory_space<hbm>> -> memref<10240x128xf32, #tpu.memory_space<hbm>>
      tpu.enqueue_indirect_dma source(%dma_start3A_24 : memref<10240x128xf32, #tpu.memory_space<hbm>>) target(%arg9 : memref<128x128xf32, #tpu.memory_space<vmem>>) offsets(%arg7 : memref<128xi32, #tpu.memory_space<vmem>>) semaphore(%arg11 : memref<!tpu.dma_semaphore, #tpu.memory_space<semaphore_mem>>)
      %dma_wait3A = arith.constant 0 : i32
      %dma_wait3A_25 = arith.constant 0 : i32
      %dma_wait3A_26 = tpu.memref_slice %arg2[%dma_wait3A, %dma_wait3A_25] : memref<10240x128xf32, #tpu.memory_space<hbm>> -> memref<10240x128xf32, #tpu.memory_space<hbm>>
      tpu.wait_indirect_dma semaphore(%arg11 : memref<!tpu.dma_semaphore, #tpu.memory_space<semaphore_mem>>) src(%dma_wait3A_26 : memref<10240x128xf32, #tpu.memory_space<hbm>>) dst(%arg9 : memref<128x128xf32, #tpu.memory_space<vmem>>)
      "tpu.region"() ({
        %run_scoped3A = tpu.sem_alloc : memref<!tpu.dma_semaphore, #tpu.memory_space<semaphore_mem>>
        %dma_start3A_27 = arith.constant 0 : i32
        %dma_start3A_28 = arith.constant 0 : i32
        %dma_start3A_29 = tpu.memref_slice %arg10[%dma_start3A_27, %dma_start3A_28] : memref<10240x128xf32, #tpu.memory_space<vmem_shared>> -> memref<10240x128xf32, #tpu.memory_space<vmem_shared>>
        tpu.enqueue_indirect_dma source(%arg9 : memref<128x128xf32, #tpu.memory_space<vmem>>) target(%dma_start3A_29 : memref<10240x128xf32, #tpu.memory_space<vmem_shared>>) offsets(%arg8 : memref<128xi32, #tpu.memory_space<vmem>>) semaphore(%run_scoped3A : memref<!tpu.dma_semaphore, #tpu.memory_space<semaphore_mem>>) {add = true}
        %dma_wait3A_30 = arith.constant 0 : i32
        %dma_wait3A_31 = arith.constant 0 : i32
        %dma_wait3A_32 = tpu.memref_slice %arg10[%dma_wait3A_30, %dma_wait3A_31] : memref<10240x128xf32, #tpu.memory_space<vmem_shared>> -> memref<10240x128xf32, #tpu.memory_space<vmem_shared>>
        tpu.wait_indirect_dma semaphore(%run_scoped3A : memref<!tpu.dma_semaphore, #tpu.memory_space<semaphore_mem>>) src(%arg9 : memref<128x128xf32, #tpu.memory_space<vmem>>) dst(%dma_wait3A_32 : memref<10240x128xf32, #tpu.memory_space<vmem_shared>>)
        tpu.yield
      }) : () -> ()
    }
    %scan3A_10 = arith.constant 79 : i32
    %barrier3A_11 = arith.constant 0 : index
    tpu.barrier barrier_id(%barrier3A_11)
    %mul3A_12 = arith.constant 640 : i32
    %mul3A_13 = arith.muli %arg1, %mul3A_12 : i32
    %mul3A_14 = arith.constant 640 : i32
    %mul3A_15 = arith.muli %arg1, %mul3A_14 : i32
    "tpu.region"() ({
      %run_scoped3A = tpu.sem_alloc : memref<!tpu.dma_semaphore, #tpu.memory_space<semaphore_mem>>
      %dma_start3A = arith.constant 0 : i32
      %dma_start3A_16 = tpu.memref_slice %arg6[%arg0, %mul3A_15, %dma_start3A] : memref<2x10240x128xf32, #tpu.memory_space<hbm>> -> memref<1x640x128xf32, #tpu.memory_space<hbm>>
      %dma_start3A_17 = tpu.memref_squeeze %dma_start3A_16 : memref<1x640x128xf32, #tpu.memory_space<hbm>> -> memref<640x128xf32, #tpu.memory_space<hbm>>
      %dma_start3A_18 = arith.constant 0 : i32
      %dma_start3A_19 = tpu.memref_slice %arg10[%mul3A_13, %dma_start3A_18] : memref<10240x128xf32, #tpu.memory_space<vmem_shared>> -> memref<640x128xf32, #tpu.memory_space<vmem_shared>>
      tpu.enqueue_dma source(%dma_start3A_19 : memref<640x128xf32, #tpu.memory_space<vmem_shared>>) target(%dma_start3A_17 : memref<640x128xf32, #tpu.memory_space<hbm>>) target_semaphore(%run_scoped3A : memref<!tpu.dma_semaphore, #tpu.memory_space<semaphore_mem>>)
      %dma_wait3A = arith.constant 0 : i32
      %dma_wait3A_20 = tpu.memref_slice %arg6[%arg0, %mul3A_15, %dma_wait3A] : memref<2x10240x128xf32, #tpu.memory_space<hbm>> -> memref<1x640x128xf32, #tpu.memory_space<hbm>>
      %dma_wait3A_21 = tpu.memref_squeeze %dma_wait3A_20 : memref<1x640x128xf32, #tpu.memory_space<hbm>> -> memref<640x128xf32, #tpu.memory_space<hbm>>
      %dma_wait3A_22 = arith.constant 0 : i32
      %dma_wait3A_23 = tpu.memref_slice %arg10[%mul3A_13, %dma_wait3A_22] : memref<10240x128xf32, #tpu.memory_space<vmem_shared>> -> memref<640x128xf32, #tpu.memory_space<vmem_shared>>
      tpu.wait_dma2 semaphore(%run_scoped3A : memref<!tpu.dma_semaphore, #tpu.memory_space<semaphore_mem>>) src(%dma_wait3A_23 : memref<640x128xf32, #tpu.memory_space<vmem_shared>>) dst(%dma_wait3A_21 : memref<640x128xf32, #tpu.memory_space<hbm>>)
      tpu.yield
    }) : () -> ()
    return
  }
}

#map = affine_map<(d0, d1) -> (0, 0)>
#map1 = affine_map<(d0, d1) -> (0)>
#map2 = affine_map<(d0, d1) -> (0, 0, 0)>
module attributes {stable_mosaic.version = 14 : i64} {
  func.func @agg_kernel(%arg0: i32, %arg1: i32, %arg2: memref<10240x128xf32, #tpu.memory_space<hbm>>, %arg3: memref<323584xi32, #tpu.memory_space<hbm>>, %arg4: memref<323584xi32, #tpu.memory_space<hbm>>, %arg5: memref<10240x128xf32, #tpu.memory_space<hbm>>, %arg6: memref<2x10240x128xf32, #tpu.memory_space<hbm>>, %arg7: memref<128xi32, #tpu.memory_space<vmem>>, %arg8: memref<128xi32, #tpu.memory_space<vmem>>, %arg9: memref<128x128xf32, #tpu.memory_space<vmem>>, %arg10: memref<10240x128xf32, #tpu.memory_space<vmem_shared>>, %arg11: memref<!tpu.dma_semaphore, #tpu.memory_space<semaphore_mem>>) attributes {dimension_semantics = [#tpu.dimension_semantics<core_parallel>, #tpu.dimension_semantics<subcore_parallel>], iteration_bounds = array<i64: 2, 16>, scalar_prefetch = 0 : i64, scratch_operands = 5 : i64, tpu.core_type = #tpu.core_type<sc_vector_subcore>, window_params = [{transform_indices = #map}, {transform_indices = #map1}, {transform_indices = #map1}, {transform_indices = #map}, {transform_indices = #map2}]} {
    %mul3A = arith.constant 2 : i32
    %mul3A_0 = arith.muli %arg1, %mul3A : i32
    %add3A = arith.addi %mul3A_0, %arg0 : i32
    %mul3A_1 = arith.constant 640 : i32
    %mul3A_2 = arith.muli %arg1, %mul3A_1 : i32
    %mul3A_3 = arith.constant 640 : i32
    %mul3A_4 = arith.muli %arg1, %mul3A_3 : i32
    "tpu.region"() ({
      %run_scoped3A = tpu.sem_alloc : memref<!tpu.dma_semaphore, #tpu.memory_space<semaphore_mem>>
      %dma_start3A = arith.constant 0 : i32
      %dma_start3A_16 = tpu.memref_slice %arg10[%mul3A_4, %dma_start3A] : memref<10240x128xf32, #tpu.memory_space<vmem_shared>> -> memref<640x128xf32, #tpu.memory_space<vmem_shared>>
      %dma_start3A_17 = arith.constant 0 : i32
      %dma_start3A_18 = tpu.memref_slice %arg5[%mul3A_2, %dma_start3A_17] : memref<10240x128xf32, #tpu.memory_space<hbm>> -> memref<640x128xf32, #tpu.memory_space<hbm>>
      tpu.enqueue_dma source(%dma_start3A_18 : memref<640x128xf32, #tpu.memory_space<hbm>>) target(%dma_start3A_16 : memref<640x128xf32, #tpu.memory_space<vmem_shared>>) target_semaphore(%run_scoped3A : memref<!tpu.dma_semaphore, #tpu.memory_space<semaphore_mem>>)
      %dma_wait3A = arith.constant 0 : i32
      %dma_wait3A_19 = tpu.memref_slice %arg10[%mul3A_4, %dma_wait3A] : memref<10240x128xf32, #tpu.memory_space<vmem_shared>> -> memref<640x128xf32, #tpu.memory_space<vmem_shared>>
      %dma_wait3A_20 = arith.constant 0 : i32
      %dma_wait3A_21 = tpu.memref_slice %arg5[%mul3A_2, %dma_wait3A_20] : memref<10240x128xf32, #tpu.memory_space<hbm>> -> memref<640x128xf32, #tpu.memory_space<hbm>>
      tpu.wait_dma2 semaphore(%run_scoped3A : memref<!tpu.dma_semaphore, #tpu.memory_space<semaphore_mem>>) src(%dma_wait3A_21 : memref<640x128xf32, #tpu.memory_space<hbm>>) dst(%dma_wait3A_19 : memref<640x128xf32, #tpu.memory_space<vmem_shared>>)
      tpu.yield
    }) : () -> ()
    %barrier3A = arith.constant 0 : index
    tpu.barrier barrier_id(%barrier3A)
    %mul3A_5 = arith.constant 10112 : i32
    %mul3A_6 = arith.muli %add3A, %mul3A_5 : i32
    %scan3A = arith.constant 0 : i32
    %scan3A_7 = arith.constant 79 : i32
    %scan3A_8 = arith.addi %scan3A, %scan3A_7 : i32
    %scan3A_9 = arith.constant 1 : i32
    scf.for %scan3A_16 = %scan3A to %scan3A_8 step %scan3A_9  : i32 {
      %mul3A_17 = arith.constant 128 : i32
      %mul3A_18 = arith.muli %scan3A_16, %mul3A_17 : i32
      %add3A_19 = arith.constant 0 : i32
      %add3A_20 = arith.addi %add3A_19, %mul3A_18 : i32
      %add3A_21 = arith.addi %mul3A_6, %add3A_20 : i32
      "tpu.region"() ({
        %run_scoped3A = tpu.sem_alloc : memref<!tpu.dma_semaphore, #tpu.memory_space<semaphore_mem>>
        %dma_start3A_27 = tpu.memref_slice %arg3[%add3A_21] : memref<323584xi32, #tpu.memory_space<hbm>> -> memref<128xi32, #tpu.memory_space<hbm>>
        %dma_start3A_28 = tpu.memref_slice %arg3[%add3A_21] : memref<323584xi32, #tpu.memory_space<hbm>> -> memref<128xi32, #tpu.memory_space<hbm>>
        tpu.enqueue_dma source(%dma_start3A_28 : memref<128xi32, #tpu.memory_space<hbm>>) target(%arg7 : memref<128xi32, #tpu.memory_space<vmem>>) target_semaphore(%run_scoped3A : memref<!tpu.dma_semaphore, #tpu.memory_space<semaphore_mem>>)
        %dma_wait3A_29 = tpu.memref_slice %arg3[%add3A_21] : memref<323584xi32, #tpu.memory_space<hbm>> -> memref<128xi32, #tpu.memory_space<hbm>>
        %dma_wait3A_30 = tpu.memref_slice %arg3[%add3A_21] : memref<323584xi32, #tpu.memory_space<hbm>> -> memref<128xi32, #tpu.memory_space<hbm>>
        tpu.wait_dma2 semaphore(%run_scoped3A : memref<!tpu.dma_semaphore, #tpu.memory_space<semaphore_mem>>) src(%dma_wait3A_30 : memref<128xi32, #tpu.memory_space<hbm>>) dst(%arg7 : memref<128xi32, #tpu.memory_space<vmem>>)
        tpu.yield
      }) : () -> ()
      %add3A_22 = arith.addi %mul3A_6, %add3A_20 : i32
      "tpu.region"() ({
        %run_scoped3A = tpu.sem_alloc : memref<!tpu.dma_semaphore, #tpu.memory_space<semaphore_mem>>
        %dma_start3A_27 = tpu.memref_slice %arg4[%add3A_22] : memref<323584xi32, #tpu.memory_space<hbm>> -> memref<128xi32, #tpu.memory_space<hbm>>
        %dma_start3A_28 = tpu.memref_slice %arg4[%add3A_22] : memref<323584xi32, #tpu.memory_space<hbm>> -> memref<128xi32, #tpu.memory_space<hbm>>
        tpu.enqueue_dma source(%dma_start3A_28 : memref<128xi32, #tpu.memory_space<hbm>>) target(%arg8 : memref<128xi32, #tpu.memory_space<vmem>>) target_semaphore(%run_scoped3A : memref<!tpu.dma_semaphore, #tpu.memory_space<semaphore_mem>>)
        %dma_wait3A_29 = tpu.memref_slice %arg4[%add3A_22] : memref<323584xi32, #tpu.memory_space<hbm>> -> memref<128xi32, #tpu.memory_space<hbm>>
        %dma_wait3A_30 = tpu.memref_slice %arg4[%add3A_22] : memref<323584xi32, #tpu.memory_space<hbm>> -> memref<128xi32, #tpu.memory_space<hbm>>
        tpu.wait_dma2 semaphore(%run_scoped3A : memref<!tpu.dma_semaphore, #tpu.memory_space<semaphore_mem>>) src(%dma_wait3A_30 : memref<128xi32, #tpu.memory_space<hbm>>) dst(%arg8 : memref<128xi32, #tpu.memory_space<vmem>>)
        tpu.yield
      }) : () -> ()
      %dma_start3A = arith.constant 0 : i32
      %dma_start3A_23 = arith.constant 0 : i32
      %dma_start3A_24 = tpu.memref_slice %arg2[%dma_start3A, %dma_start3A_23] : memref<10240x128xf32, #tpu.memory_space<hbm>> -> memref<10240x128xf32, #tpu.memory_space<hbm>>
      tpu.enqueue_indirect_dma source(%dma_start3A_24 : memref<10240x128xf32, #tpu.memory_space<hbm>>) target(%arg9 : memref<128x128xf32, #tpu.memory_space<vmem>>) offsets(%arg7 : memref<128xi32, #tpu.memory_space<vmem>>) semaphore(%arg11 : memref<!tpu.dma_semaphore, #tpu.memory_space<semaphore_mem>>)
      %dma_wait3A = arith.constant 0 : i32
      %dma_wait3A_25 = arith.constant 0 : i32
      %dma_wait3A_26 = tpu.memref_slice %arg2[%dma_wait3A, %dma_wait3A_25] : memref<10240x128xf32, #tpu.memory_space<hbm>> -> memref<10240x128xf32, #tpu.memory_space<hbm>>
      tpu.wait_indirect_dma semaphore(%arg11 : memref<!tpu.dma_semaphore, #tpu.memory_space<semaphore_mem>>) src(%dma_wait3A_26 : memref<10240x128xf32, #tpu.memory_space<hbm>>) dst(%arg9 : memref<128x128xf32, #tpu.memory_space<vmem>>)
      "tpu.region"() ({
        %run_scoped3A = tpu.sem_alloc : memref<!tpu.dma_semaphore, #tpu.memory_space<semaphore_mem>>
        %dma_start3A_27 = arith.constant 0 : i32
        %dma_start3A_28 = arith.constant 0 : i32
        %dma_start3A_29 = tpu.memref_slice %arg10[%dma_start3A_27, %dma_start3A_28] : memref<10240x128xf32, #tpu.memory_space<vmem_shared>> -> memref<10240x128xf32, #tpu.memory_space<vmem_shared>>
        tpu.enqueue_indirect_dma source(%arg9 : memref<128x128xf32, #tpu.memory_space<vmem>>) target(%dma_start3A_29 : memref<10240x128xf32, #tpu.memory_space<vmem_shared>>) offsets(%arg8 : memref<128xi32, #tpu.memory_space<vmem>>) semaphore(%run_scoped3A : memref<!tpu.dma_semaphore, #tpu.memory_space<semaphore_mem>>) {add = true}
        %dma_wait3A_30 = arith.constant 0 : i32
        %dma_wait3A_31 = arith.constant 0 : i32
        %dma_wait3A_32 = tpu.memref_slice %arg10[%dma_wait3A_30, %dma_wait3A_31] : memref<10240x128xf32, #tpu.memory_space<vmem_shared>> -> memref<10240x128xf32, #tpu.memory_space<vmem_shared>>
        tpu.wait_indirect_dma semaphore(%run_scoped3A : memref<!tpu.dma_semaphore, #tpu.memory_space<semaphore_mem>>) src(%arg9 : memref<128x128xf32, #tpu.memory_space<vmem>>) dst(%dma_wait3A_32 : memref<10240x128xf32, #tpu.memory_space<vmem_shared>>)
        tpu.yield
      }) : () -> ()
    }
    %scan3A_10 = arith.constant 79 : i32
    %barrier3A_11 = arith.constant 0 : index
    tpu.barrier barrier_id(%barrier3A_11)
    %mul3A_12 = arith.constant 640 : i32
    %mul3A_13 = arith.muli %arg1, %mul3A_12 : i32
    %mul3A_14 = arith.constant 640 : i32
    %mul3A_15 = arith.muli %arg1, %mul3A_14 : i32
    "tpu.region"() ({
      %run_scoped3A = tpu.sem_alloc : memref<!tpu.dma_semaphore, #tpu.memory_space<semaphore_mem>>
      %dma_start3A = arith.constant 0 : i32
      %dma_start3A_16 = tpu.memref_slice %arg6[%arg0, %mul3A_15, %dma_start3A] : memref<2x10240x128xf32, #tpu.memory_space<hbm>> -> memref<1x640x128xf32, #tpu.memory_space<hbm>>
      %dma_start3A_17 = tpu.memref_squeeze %dma_start3A_16 : memref<1x640x128xf32, #tpu.memory_space<hbm>> -> memref<640x128xf32, #tpu.memory_space<hbm>>
      %dma_start3A_18 = arith.constant 0 : i32
      %dma_start3A_19 = tpu.memref_slice %arg10[%mul3A_13, %dma_start3A_18] : memref<10240x128xf32, #tpu.memory_space<vmem_shared>> -> memref<640x128xf32, #tpu.memory_space<vmem_shared>>
      tpu.enqueue_dma source(%dma_start3A_19 : memref<640x128xf32, #tpu.memory_space<vmem_shared>>) target(%dma_start3A_17 : memref<640x128xf32, #tpu.memory_space<hbm>>) target_semaphore(%run_scoped3A : memref<!tpu.dma_semaphore, #tpu.memory_space<semaphore_mem>>)
      %dma_wait3A = arith.constant 0 : i32
      %dma_wait3A_20 = tpu.memref_slice %arg6[%arg0, %mul3A_15, %dma_wait3A] : memref<2x10240x128xf32, #tpu.memory_space<hbm>> -> memref<1x640x128xf32, #tpu.memory_space<hbm>>
      %dma_wait3A_21 = tpu.memref_squeeze %dma_wait3A_20 : memref<1x640x128xf32, #tpu.memory_space<hbm>> -> memref<640x128xf32, #tpu.memory_space<hbm>>
      %dma_wait3A_22 = arith.constant 0 : i32
      %dma_wait3A_23 = tpu.memref_slice %arg10[%mul3A_13, %dma_wait3A_22] : memref<10240x128xf32, #tpu.memory_space<vmem_shared>> -> memref<640x128xf32, #tpu.memory_space<vmem_shared>>
      tpu.wait_dma2 semaphore(%run_scoped3A : memref<!tpu.dma_semaphore, #tpu.memory_space<semaphore_mem>>) src(%dma_wait3A_23 : memref<640x128xf32, #tpu.memory_space<vmem_shared>>) dst(%dma_wait3A_21 : memref<640x128xf32, #tpu.memory_space<hbm>>)
      tpu.yield
    }) : () -> ()
    return
  }
}

module attributes {stable_mosaic.version = 14 : i64} {
  func.func @body(%arg0: i32, %arg1: memref<1024x128xf32, #tpu.memory_space<vmem>>, %arg2: memref<128x128xf32, #tpu.memory_space<vmem>>, %arg3: memref<1024x128xf32, #tpu.memory_space<vmem>>) attributes {dimension_semantics = [#tpu.dimension_semantics<arbitrary>], iteration_bounds = array<i64: 10>, scalar_prefetch = 0 : i64, scratch_operands = 0 : i64, tpu.core_type = #tpu.core_type<tc>, window_params = [{transform_indices = @transform_0, window_bounds = array<i64: 1024, 128>}, {pipeline_mode = #tpu.pipeline_mode<synchronous>, transform_indices = @transform_1, window_bounds = array<i64: 128, 128>}, {transform_indices = @transform_2, window_bounds = array<i64: 1024, 128>}]} {
    %get3A = arith.constant 0 : index
    %get3A_0 = arith.constant 0 : index
    %get3A_1 = vector.load %arg1[%get3A, %get3A_0] : memref<1024x128xf32, #tpu.memory_space<vmem>>, vector<1024x128xf32>
    %get3A_2 = arith.constant 0 : index
    %get3A_3 = arith.constant 0 : index
    %get3A_4 = vector.load %arg2[%get3A_2, %get3A_3] : memref<128x128xf32, #tpu.memory_space<vmem>>, vector<128x128xf32>
    %dot_general3A = arith.constant dense<0.000000e+00> : vector<1024x128xf32>
    %dot_general3A_5 = tpu.matmul %get3A_1, %get3A_4, %dot_general3A {dimension_numbers = #tpu.dot_dimension_numbers<[1], [0], [0], [1], [0, 0, 1, 1], [], []>, transpose_lhs_hint = false} : vector<1024x128xf32>, vector<128x128xf32>, vector<1024x128xf32> -> vector<1024x128xf32>
    %swap3A = arith.constant 0 : index
    %swap3A_6 = arith.constant 0 : index
    %swap3A_7 = vector.load %arg3[%swap3A, %swap3A_6] : memref<1024x128xf32, #tpu.memory_space<vmem>>, vector<1024x128xf32>
    tpu.vector_store %arg3[%swap3A, %swap3A_6], %dot_general3A_5 {strides = array<i32>} : memref<1024x128xf32, #tpu.memory_space<vmem>>, vector<1024x128xf32>,
    return
  }
  func.func @transform_0(%arg0: i32) -> (i32, i32) {
    %c0_i32 = arith.constant 0 : i32
    %c0_i32_0 = arith.constant 0 : i32
    return %arg0, %c0_i32 : i32, i32
  }
  func.func @transform_1(%arg0: i32) -> (i32, i32) {
    %c0_i32 = arith.constant 0 : i32
    %c0_i32_0 = arith.constant 0 : i32
    %c0_i32_1 = arith.constant 0 : i32
    return %c0_i32, %c0_i32_0 : i32, i32
  }
  func.func @transform_2(%arg0: i32) -> (i32, i32) {
    %c0_i32 = arith.constant 0 : i32
    %c0_i32_0 = arith.constant 0 : i32
    return %arg0, %c0_i32 : i32, i32
  }
}

module attributes {stable_mosaic.version = 14 : i64} {
  func.func @body(%arg0: i32, %arg1: memref<2x1024x16xf32, #tpu.memory_space<vmem>>, %arg2: memref<1024x128xf32, #tpu.memory_space<vmem>>, %arg3: memref<1024x16xf32, #tpu.memory_space<vmem>>, %arg4: memref<1024x128xf32, #tpu.memory_space<vmem>>) attributes {dimension_semantics = [#tpu.dimension_semantics<arbitrary>], iteration_bounds = array<i64: 10>, scalar_prefetch = 0 : i64, scratch_operands = 0 : i64, tpu.core_type = #tpu.core_type<tc>, window_params = [{transform_indices = @transform_0, window_bounds = array<i64: 2, 1024, 16>}, {transform_indices = @transform_1, window_bounds = array<i64: 1024, 128>}, {transform_indices = @transform_2, window_bounds = array<i64: 1024, 16>}, {transform_indices = @transform_3, window_bounds = array<i64: 1024, 128>}]} {
    %get3A = arith.constant 0 : index
    %get3A_0 = arith.constant 0 : index
    %get3A_1 = arith.constant 0 : index
    %get3A_2 = vector.load %arg1[%get3A, %get3A_0, %get3A_1] : memref<2x1024x16xf32, #tpu.memory_space<vmem>>, vector<1x1024x16xf32>
    %get3A_3 = vector.shape_cast %get3A_2 : vector<1x1024x16xf32> to vector<1024x16xf32>
    %get3A_4 = arith.constant 1 : index
    %get3A_5 = arith.constant 0 : index
    %get3A_6 = arith.constant 0 : index
    %get3A_7 = vector.load %arg1[%get3A_4, %get3A_5, %get3A_6] : memref<2x1024x16xf32, #tpu.memory_space<vmem>>, vector<1x1024x16xf32>
    %get3A_8 = vector.shape_cast %get3A_7 : vector<1x1024x16xf32> to vector<1024x16xf32>
    %add3A = arith.addf %get3A_3, %get3A_8 : vector<1024x16xf32>
    %add3A_9 = arith.constant 1.000000e+00 : f32
    %add3A_10 = vector.broadcast %add3A_9 : f32 to vector<1024x16xf32>
    %add3A_11 = arith.addf %add3A, %add3A_10 : vector<1024x16xf32>
    %rsqrt3A = math.rsqrt %add3A_11 : vector<1024x16xf32>
    %swap3A = arith.constant 0 : index
    %swap3A_12 = arith.constant 0 : index
    %swap3A_13 = vector.load %arg3[%swap3A, %swap3A_12] : memref<1024x16xf32, #tpu.memory_space<vmem>>, vector<1024x16xf32>
    tpu.vector_store %arg3[%swap3A, %swap3A_12], %rsqrt3A {strides = array<i32>} : memref<1024x16xf32, #tpu.memory_space<vmem>>, vector<1024x16xf32>,
    %get3A_14 = arith.constant 0 : index
    %get3A_15 = arith.constant 0 : index
    %get3A_16 = vector.load %arg2[%get3A_14, %get3A_15] : memref<1024x128xf32, #tpu.memory_space<vmem>>, vector<1024x128xf32>
    %slice3A = vector.extract_strided_slice %rsqrt3A {offsets = [0, 0], sizes = [1024, 1], strides = [1, 1]} : vector<1024x16xf32> to vector<1024x1xf32>
    %mul3A = vector.broadcast %slice3A : vector<1024x1xf32> to vector<1024x128xf32>
    %mul3A_17 = arith.mulf %get3A_16, %mul3A : vector<1024x128xf32>
    %swap3A_18 = arith.constant 0 : index
    %swap3A_19 = arith.constant 0 : index
    %swap3A_20 = vector.load %arg4[%swap3A_18, %swap3A_19] : memref<1024x128xf32, #tpu.memory_space<vmem>>, vector<1024x128xf32>
    tpu.vector_store %arg4[%swap3A_18, %swap3A_19], %mul3A_17 {strides = array<i32>} : memref<1024x128xf32, #tpu.memory_space<vmem>>, vector<1024x128xf32>,
    return
  }
  func.func @transform_0(%arg0: i32) -> (i32, i32, i32) {
    %c0_i32 = arith.constant 0 : i32
    %c0_i32_0 = arith.constant 0 : i32
    %c0_i32_1 = arith.constant 0 : i32
    return %c0_i32, %arg0, %c0_i32_0 : i32, i32, i32
  }
  func.func @transform_1(%arg0: i32) -> (i32, i32) {
    %c0_i32 = arith.constant 0 : i32
    %c0_i32_0 = arith.constant 0 : i32
    return %arg0, %c0_i32 : i32, i32
  }
  func.func @transform_2(%arg0: i32) -> (i32, i32) {
    %c0_i32 = arith.constant 0 : i32
    %c0_i32_0 = arith.constant 0 : i32
    return %arg0, %c0_i32 : i32, i32
  }
  func.func @transform_3(%arg0: i32) -> (i32, i32) {
    %c0_i32 = arith.constant 0 : i32
    %c0_i32_0 = arith.constant 0 : i32
    return %arg0, %c0_i32 : i32, i32
  }
}

module attributes {stable_mosaic.version = 14 : i64} {
  func.func @body(%arg0: i32, %arg1: memref<2x1024x128xf32, #tpu.memory_space<vmem>>, %arg2: memref<1024x128xf32, #tpu.memory_space<vmem>>, %arg3: memref<1024x16xf32, #tpu.memory_space<vmem>>, %arg4: memref<1x128xf32, #tpu.memory_space<vmem>>, %arg5: memref<128x128xf32, #tpu.memory_space<vmem>>, %arg6: memref<1024x128xf32, #tpu.memory_space<vmem>>, %arg7: memref<1024x128xf32, #tpu.memory_space<vmem>>) attributes {dimension_semantics = [#tpu.dimension_semantics<arbitrary>], iteration_bounds = array<i64: 10>, scalar_prefetch = 0 : i64, scratch_operands = 0 : i64, tpu.core_type = #tpu.core_type<tc>, window_params = [{transform_indices = @transform_0, window_bounds = array<i64: 2, 1024, 128>}, {transform_indices = @transform_1, window_bounds = array<i64: 1024, 128>}, {transform_indices = @transform_2, window_bounds = array<i64: 1024, 16>}, {pipeline_mode = #tpu.pipeline_mode<synchronous>, transform_indices = @transform_3, window_bounds = array<i64: 1, 128>}, {pipeline_mode = #tpu.pipeline_mode<synchronous>, transform_indices = @transform_4, window_bounds = array<i64: 128, 128>}, {transform_indices = @transform_5, window_bounds = array<i64: 1024, 128>}, {transform_indices = @transform_6, window_bounds = array<i64: 1024, 128>}]} {
    %get3A = arith.constant 0 : index
    %get3A_0 = arith.constant 0 : index
    %get3A_1 = vector.load %arg3[%get3A, %get3A_0] : memref<1024x16xf32, #tpu.memory_space<vmem>>, vector<1024x16xf32>
    %slice3A = vector.extract_strided_slice %get3A_1 {offsets = [0, 0], sizes = [1024, 1], strides = [1, 1]} : vector<1024x16xf32> to vector<1024x1xf32>
    %get3A_2 = arith.constant 0 : index
    %get3A_3 = arith.constant 0 : index
    %get3A_4 = arith.constant 0 : index
    %get3A_5 = vector.load %arg1[%get3A_2, %get3A_3, %get3A_4] : memref<2x1024x128xf32, #tpu.memory_space<vmem>>, vector<1x1024x128xf32>
    %get3A_6 = vector.shape_cast %get3A_5 : vector<1x1024x128xf32> to vector<1024x128xf32>
    %get3A_7 = arith.constant 1 : index
    %get3A_8 = arith.constant 0 : index
    %get3A_9 = arith.constant 0 : index
    %get3A_10 = vector.load %arg1[%get3A_7, %get3A_8, %get3A_9] : memref<2x1024x128xf32, #tpu.memory_space<vmem>>, vector<1x1024x128xf32>
    %get3A_11 = vector.shape_cast %get3A_10 : vector<1x1024x128xf32> to vector<1024x128xf32>
    %add3A = arith.addf %get3A_6, %get3A_11 : vector<1024x128xf32>
    %mul3A = vector.broadcast %slice3A : vector<1024x1xf32> to vector<1024x128xf32>
    %mul3A_12 = arith.mulf %mul3A, %add3A : vector<1024x128xf32>
    %mul3A_13 = arith.mulf %slice3A, %slice3A : vector<1024x1xf32>
    %get3A_14 = arith.constant 0 : index
    %get3A_15 = arith.constant 0 : index
    %get3A_16 = vector.load %arg2[%get3A_14, %get3A_15] : memref<1024x128xf32, #tpu.memory_space<vmem>>, vector<1024x128xf32>
    %mul3A_17 = vector.broadcast %mul3A_13 : vector<1024x1xf32> to vector<1024x128xf32>
    %mul3A_18 = arith.mulf %mul3A_17, %get3A_16 : vector<1024x128xf32>
    %add3A_19 = arith.addf %mul3A_12, %mul3A_18 : vector<1024x128xf32>
    %get3A_20 = arith.constant 0 : index
    %get3A_21 = arith.constant 0 : index
    %get3A_22 = vector.load %arg4[%get3A_20, %get3A_21] : memref<1x128xf32, #tpu.memory_space<vmem>>, vector<1x128xf32>
    %add3A_23 = vector.broadcast %get3A_22 : vector<1x128xf32> to vector<1024x128xf32>
    %add3A_24 = arith.addf %add3A_19, %add3A_23 : vector<1024x128xf32>
    %max3A = arith.constant 0.000000e+00 : f32
    %max3A_25 = vector.broadcast %max3A : f32 to vector<1024x128xf32>
    %max3A_26 = arith.maximumf %add3A_24, %max3A_25 : vector<1024x128xf32>
    %get3A_27 = arith.constant 0 : index
    %get3A_28 = arith.constant 0 : index
    %get3A_29 = vector.load %arg5[%get3A_27, %get3A_28] : memref<128x128xf32, #tpu.memory_space<vmem>>, vector<128x128xf32>
    %dot_general3A = arith.constant dense<0.000000e+00> : vector<1024x128xf32>
    %dot_general3A_30 = tpu.matmul %max3A_26, %get3A_29, %dot_general3A {dimension_numbers = #tpu.dot_dimension_numbers<[1], [0], [0], [1], [0, 0, 1, 1], [], []>, transpose_lhs_hint = false} : vector<1024x128xf32>, vector<128x128xf32>, vector<1024x128xf32> -> vector<1024x128xf32>
    %swap3A = arith.constant 0 : index
    %swap3A_31 = arith.constant 0 : index
    %swap3A_32 = vector.load %arg6[%swap3A, %swap3A_31] : memref<1024x128xf32, #tpu.memory_space<vmem>>, vector<1024x128xf32>
    tpu.vector_store %arg6[%swap3A, %swap3A_31], %dot_general3A_30 {strides = array<i32>} : memref<1024x128xf32, #tpu.memory_space<vmem>>, vector<1024x128xf32>,
    %mul3A_33 = vector.broadcast %slice3A : vector<1024x1xf32> to vector<1024x128xf32>
    %mul3A_34 = arith.mulf %dot_general3A_30, %mul3A_33 : vector<1024x128xf32>
    %swap3A_35 = arith.constant 0 : index
    %swap3A_36 = arith.constant 0 : index
    %swap3A_37 = vector.load %arg7[%swap3A_35, %swap3A_36] : memref<1024x128xf32, #tpu.memory_space<vmem>>, vector<1024x128xf32>
    tpu.vector_store %arg7[%swap3A_35, %swap3A_36], %mul3A_34 {strides = array<i32>} : memref<1024x128xf32, #tpu.memory_space<vmem>>, vector<1024x128xf32>,
    return
  }
  func.func @transform_0(%arg0: i32) -> (i32, i32, i32) {
    %c0_i32 = arith.constant 0 : i32
    %c0_i32_0 = arith.constant 0 : i32
    %c0_i32_1 = arith.constant 0 : i32
    return %c0_i32, %arg0, %c0_i32_0 : i32, i32, i32
  }
  func.func @transform_1(%arg0: i32) -> (i32, i32) {
    %c0_i32 = arith.constant 0 : i32
    %c0_i32_0 = arith.constant 0 : i32
    return %arg0, %c0_i32 : i32, i32
  }
  func.func @transform_2(%arg0: i32) -> (i32, i32) {
    %c0_i32 = arith.constant 0 : i32
    %c0_i32_0 = arith.constant 0 : i32
    return %arg0, %c0_i32 : i32, i32
  }
  func.func @transform_3(%arg0: i32) -> (i32, i32) {
    %c0_i32 = arith.constant 0 : i32
    %c0_i32_0 = arith.constant 0 : i32
    %c0_i32_1 = arith.constant 0 : i32
    return %c0_i32, %c0_i32_0 : i32, i32
  }
  func.func @transform_4(%arg0: i32) -> (i32, i32) {
    %c0_i32 = arith.constant 0 : i32
    %c0_i32_0 = arith.constant 0 : i32
    %c0_i32_1 = arith.constant 0 : i32
    return %c0_i32, %c0_i32_0 : i32, i32
  }
  func.func @transform_5(%arg0: i32) -> (i32, i32) {
    %c0_i32 = arith.constant 0 : i32
    %c0_i32_0 = arith.constant 0 : i32
    return %arg0, %c0_i32 : i32, i32
  }
  func.func @transform_6(%arg0: i32) -> (i32, i32) {
    %c0_i32 = arith.constant 0 : i32
    %c0_i32_0 = arith.constant 0 : i32
    return %arg0, %c0_i32 : i32, i32
  }
}

module attributes {stable_mosaic.version = 14 : i64} {
  func.func @body(%arg0: i32, %arg1: memref<2x1024x128xf32, #tpu.memory_space<vmem>>, %arg2: memref<1024x128xf32, #tpu.memory_space<vmem>>, %arg3: memref<1024x16xf32, #tpu.memory_space<vmem>>, %arg4: memref<1x128xf32, #tpu.memory_space<vmem>>, %arg5: memref<128x64xf32, #tpu.memory_space<vmem>>, %arg6: memref<1x64xf32, #tpu.memory_space<vmem>>, %arg7: memref<1024x64xf32, #tpu.memory_space<vmem>>) attributes {dimension_semantics = [#tpu.dimension_semantics<arbitrary>], iteration_bounds = array<i64: 10>, scalar_prefetch = 0 : i64, scratch_operands = 0 : i64, tpu.core_type = #tpu.core_type<tc>, window_params = [{transform_indices = @transform_0, window_bounds = array<i64: 2, 1024, 128>}, {transform_indices = @transform_1, window_bounds = array<i64: 1024, 128>}, {transform_indices = @transform_2, window_bounds = array<i64: 1024, 16>}, {pipeline_mode = #tpu.pipeline_mode<synchronous>, transform_indices = @transform_3, window_bounds = array<i64: 1, 128>}, {pipeline_mode = #tpu.pipeline_mode<synchronous>, transform_indices = @transform_4, window_bounds = array<i64: 128, 64>}, {pipeline_mode = #tpu.pipeline_mode<synchronous>, transform_indices = @transform_5, window_bounds = array<i64: 1, 64>}, {transform_indices = @transform_6, window_bounds = array<i64: 1024, 64>}]} {
    %get3A = arith.constant 0 : index
    %get3A_0 = arith.constant 0 : index
    %get3A_1 = vector.load %arg3[%get3A, %get3A_0] : memref<1024x16xf32, #tpu.memory_space<vmem>>, vector<1024x16xf32>
    %slice3A = vector.extract_strided_slice %get3A_1 {offsets = [0, 0], sizes = [1024, 1], strides = [1, 1]} : vector<1024x16xf32> to vector<1024x1xf32>
    %get3A_2 = arith.constant 0 : index
    %get3A_3 = arith.constant 0 : index
    %get3A_4 = arith.constant 0 : index
    %get3A_5 = vector.load %arg1[%get3A_2, %get3A_3, %get3A_4] : memref<2x1024x128xf32, #tpu.memory_space<vmem>>, vector<1x1024x128xf32>
    %get3A_6 = vector.shape_cast %get3A_5 : vector<1x1024x128xf32> to vector<1024x128xf32>
    %get3A_7 = arith.constant 1 : index
    %get3A_8 = arith.constant 0 : index
    %get3A_9 = arith.constant 0 : index
    %get3A_10 = vector.load %arg1[%get3A_7, %get3A_8, %get3A_9] : memref<2x1024x128xf32, #tpu.memory_space<vmem>>, vector<1x1024x128xf32>
    %get3A_11 = vector.shape_cast %get3A_10 : vector<1x1024x128xf32> to vector<1024x128xf32>
    %add3A = arith.addf %get3A_6, %get3A_11 : vector<1024x128xf32>
    %mul3A = vector.broadcast %slice3A : vector<1024x1xf32> to vector<1024x128xf32>
    %mul3A_12 = arith.mulf %mul3A, %add3A : vector<1024x128xf32>
    %mul3A_13 = arith.mulf %slice3A, %slice3A : vector<1024x1xf32>
    %get3A_14 = arith.constant 0 : index
    %get3A_15 = arith.constant 0 : index
    %get3A_16 = vector.load %arg2[%get3A_14, %get3A_15] : memref<1024x128xf32, #tpu.memory_space<vmem>>, vector<1024x128xf32>
    %mul3A_17 = vector.broadcast %mul3A_13 : vector<1024x1xf32> to vector<1024x128xf32>
    %mul3A_18 = arith.mulf %mul3A_17, %get3A_16 : vector<1024x128xf32>
    %add3A_19 = arith.addf %mul3A_12, %mul3A_18 : vector<1024x128xf32>
    %get3A_20 = arith.constant 0 : index
    %get3A_21 = arith.constant 0 : index
    %get3A_22 = vector.load %arg4[%get3A_20, %get3A_21] : memref<1x128xf32, #tpu.memory_space<vmem>>, vector<1x128xf32>
    %add3A_23 = vector.broadcast %get3A_22 : vector<1x128xf32> to vector<1024x128xf32>
    %add3A_24 = arith.addf %add3A_19, %add3A_23 : vector<1024x128xf32>
    %max3A = arith.constant 0.000000e+00 : f32
    %max3A_25 = vector.broadcast %max3A : f32 to vector<1024x128xf32>
    %max3A_26 = arith.maximumf %add3A_24, %max3A_25 : vector<1024x128xf32>
    %get3A_27 = arith.constant 0 : index
    %get3A_28 = arith.constant 0 : index
    %get3A_29 = vector.load %arg5[%get3A_27, %get3A_28] : memref<128x64xf32, #tpu.memory_space<vmem>>, vector<128x64xf32>
    %dot_general3A = arith.constant dense<0.000000e+00> : vector<1024x64xf32>
    %dot_general3A_30 = tpu.matmul %max3A_26, %get3A_29, %dot_general3A {dimension_numbers = #tpu.dot_dimension_numbers<[1], [0], [0], [1], [0, 0, 1, 1], [], []>, transpose_lhs_hint = false} : vector<1024x128xf32>, vector<128x64xf32>, vector<1024x64xf32> -> vector<1024x64xf32>
    %get3A_31 = arith.constant 0 : index
    %get3A_32 = arith.constant 0 : index
    %get3A_33 = vector.load %arg6[%get3A_31, %get3A_32] : memref<1x64xf32, #tpu.memory_space<vmem>>, vector<1x64xf32>
    %add3A_34 = vector.broadcast %get3A_33 : vector<1x64xf32> to vector<1024x64xf32>
    %add3A_35 = arith.addf %dot_general3A_30, %add3A_34 : vector<1024x64xf32>
    %swap3A = arith.constant 0 : index
    %swap3A_36 = arith.constant 0 : index
    %swap3A_37 = vector.load %arg7[%swap3A, %swap3A_36] : memref<1024x64xf32, #tpu.memory_space<vmem>>, vector<1024x64xf32>
    tpu.vector_store %arg7[%swap3A, %swap3A_36], %add3A_35 {strides = array<i32>} : memref<1024x64xf32, #tpu.memory_space<vmem>>, vector<1024x64xf32>,
    return
  }
  func.func @transform_0(%arg0: i32) -> (i32, i32, i32) {
    %c0_i32 = arith.constant 0 : i32
    %c0_i32_0 = arith.constant 0 : i32
    %c0_i32_1 = arith.constant 0 : i32
    return %c0_i32, %arg0, %c0_i32_0 : i32, i32, i32
  }
  func.func @transform_1(%arg0: i32) -> (i32, i32) {
    %c0_i32 = arith.constant 0 : i32
    %c0_i32_0 = arith.constant 0 : i32
    return %arg0, %c0_i32 : i32, i32
  }
  func.func @transform_2(%arg0: i32) -> (i32, i32) {
    %c0_i32 = arith.constant 0 : i32
    %c0_i32_0 = arith.constant 0 : i32
    return %arg0, %c0_i32 : i32, i32
  }
  func.func @transform_3(%arg0: i32) -> (i32, i32) {
    %c0_i32 = arith.constant 0 : i32
    %c0_i32_0 = arith.constant 0 : i32
    %c0_i32_1 = arith.constant 0 : i32
    return %c0_i32, %c0_i32_0 : i32, i32
  }
  func.func @transform_4(%arg0: i32) -> (i32, i32) {
    %c0_i32 = arith.constant 0 : i32
    %c0_i32_0 = arith.constant 0 : i32
    %c0_i32_1 = arith.constant 0 : i32
    return %c0_i32, %c0_i32_0 : i32, i32
  }
  func.func @transform_5(%arg0: i32) -> (i32, i32) {
    %c0_i32 = arith.constant 0 : i32
    %c0_i32_0 = arith.constant 0 : i32
    %c0_i32_1 = arith.constant 0 : i32
    return %c0_i32, %c0_i32_0 : i32, i32
  }
  func.func @transform_6(%arg0: i32) -> (i32, i32) {
    %c0_i32 = arith.constant 0 : i32
    %c0_i32_0 = arith.constant 0 : i32
    return %arg0, %c0_i32 : i32, i32
  }
}

</mosaic_0001>

<sc_bundles>
// kernel: kernel.12.cloned.1.call-start
scs
__scs_entry_jumppad:
0x0: {  	(pc) =	sbr.rel $0x88, $3  }
0x1: {  	(tag) =	ssettag $0x0;
	lr =	simm.s32 $0x1  }
0x2: {  	[smem:$0x3F99] =	sst lr;
	_ =	strace $0xD0000000  }
0x3: {  	_ = 	snop  }
0x4: {  	_ = 	snop  }
0x5: {  	_ = 	snop  }
0x6: {  	_ = 	snop  }
0x7: {  	_ = 	snop  }
__scs_overlays_trampoline_lowered:
0x8: {  	[smem:$0x3FA8] =	sst s0  }
0x9: {  	[smem:$0x3FA9] =	sst s1  }
0xa: {  	[smem:$0x3FAA] =	sst s2  }
0xb: {  	[smem:$0x3FAB] =	sst s3  }
0xc: {  	[smem:$0x3FAC] =	sst s4  }
0xd: {  	[smem:$0x3FAD] =	sst s5  }
0xe: {  	[smem:$0x3FAE] =	sst s6  }
0xf: {  	[smem:$0x3FAF] =	sst s7  }
0x10: {  	[smem:$0x3FB0] =	sst s8  }
0x11: {  	[smem:$0x3FB1] =	sst s9;
	s0 =	simm.s32 @!p0 $0x0  }
0x12: {  	s1 =	sld [smem:$0x3F97];
	s0 =	simm.s32 @p0 $0x1  }
0x13: {  	[smem:$0x3FB2] =	sst s0;
	s0 =	simm.s32 @!p1 $0x0  }
0x14: {  	s2 =	sld [smem:$0x3F96];
	s0 =	simm.s32 @p1 $0x1  }
0x15: {  	[smem:$0x3FB3] =	sst s0;
	s0 =	simm.s32 @!p2 $0x0  }
0x16: {  	s3 =	sld [smem:$0x3FDB];
	s0 =	simm.s32 @p2 $0x1  }
0x17: {  	s4 =	simm.s32 $0x1BF5;
	[smem:$0x3FB5] =	sst s0  }
0x18: {  	s0 =	sld [smem:$0x3F98];
	_ =	swait.ge [sflag:s4], $0x0  }
0x19: {  	s7 =	sld [smem:$0x3F99]  }
0x1a: {  	s8 =	sadd.s32 $0xFFFFE003, lr  }
0x1b: {  	s9 =	sadd.s32 $0xFFFFFEF7, lr;
	s5 =	simm.s32 $0xFFFFFFFF;
	p2 =	slt.u32 s8, $0xFFFFF086  }
0x1c: {  	p1 =	slt.u32 s9, $0xF7A;
	s5 =	simm.s32 @!p2 $0x0  }
0x1d: {  	s5 =	simm.s32 @p1 $0x1;
	p0 =	seq.s32 s7, s2  }
0x1e: {  	s7 =	smul.u32 @!p0 $0xF7A, s2;
	p2 =	seq.s32 @!p0 s5, $0x0  }
0x1f: {  	s9 =	smul.u32 $0xF7A, s1;
	s8 =	simm.s32 @!p0 $0x1BF5;
	p2 =	por !p2, p0  }
0x20: {  	[sflag:s8] =	ssyncset.s32 @!p0 $0xFFFFF086;
	s6 =	sadd.s32 @!p0 s3, s7;
	s7 =	simm.s32 @!p0 $0x108  }
0x21: {  	s3 =	sadd.s32 s3, s9;
	s6 =	sadd.s32 @!p0 $0x88, s6;
	s7 =	simm.s32 @p2 $0x1082  }
0x22: {  	[simem:s7], [sflag:s8] =	dma.local @!p0 [hbm:s6], $0xF7A  }
0x23: {  	s9 =	sor.u32 $0xD0000000, s2;
	s6 =	simm.s32 $0x108;
	_ =	swait.ge @!p0 [sflag:s8], $0x0  }
0x24: {  	s3 =	sadd.s32 $0x88, s3;
	s6 =	simm.s32 @!p1 $0x1082;
	[sflag:s4] =	ssyncset.s32 $0xFFFFF086  }
0x25: {  	[simem:s6], [sflag:s4] =	dma.local [hbm:s3], $0xF7A  }
0x26: {  	[smem:$0x3F99] =	sst s1;
	(tag) =	ssettag s2;
	_ =	strace s9  }
0x27: {  	s1 =	sld [smem:$0x3FA9]  }
0x28: {  	s2 =	sld [smem:$0x3FAA]  }
0x29: {  	s4 =	sld [smem:$0x3FAC]  }
0x2a: {  	p0 =	seq.s32 s5, $0x0;
	s5 =	sld [smem:$0x3FAD]  }
0x2b: {  	s6 =	sld [smem:$0x3FAE]  }
0x2c: {  	s7 =	sld [smem:$0x3FAF]  }
0x2d: {  	s3 =	simm.s32 $0x108;
	s8 =	sld [smem:$0x3FB0]  }
0x2e: {  	s3 =	simm.s32 @!p0 $0x1082;
	s9 =	sld [smem:$0x3FB1]  }
0x2f: {  	lr =	sadd.s32 s0, s3;
	s0 =	sld [smem:$0x3FA8]  }
0x30: {  	s3 =	sld [smem:$0x3FAB]  }
0x31: {  	[smem:$0x3FB4] =	sst s10  }
0x32: {  	s10 =	sld [smem:$0x3FB2];
	_ =	sdelay $0x3  }
0x33: {  	p0 =	seq.s32 s10, $0x1;
	s10 =	sld [smem:$0x3FB4];
	_ =	sdelay $0x3  }
0x34: {  	[smem:$0x3FB4] =	sst s10  }
0x35: {  	s10 =	sld [smem:$0x3FB3];
	_ =	sdelay $0x3  }
0x36: {  	p1 =	seq.s32 s10, $0x1;
	s10 =	sld [smem:$0x3FB4];
	_ =	sdelay $0x3  }
0x37: {  	[smem:$0x3FB4] =	sst s10  }
0x38: {  	s10 =	sld [smem:$0x3FB5]  }
0x39: {  	_ = 	snop;
	(pc) =	sbr.ind lr, $3  }
0x3a: {  	_ = 	snop  }
0x3b: {  	_ = 	snop  }
0x3c: {  	p2 =	seq.s32 s10, $0x1;
	s10 =	sld [smem:$0x3FB4]  }
0x3d: {  	_ =	shalt  }
0x3e: {  	_ =	shalt  }
0x3f: {  	_ =	shalt  }
0x40: {  	_ =	shalt  }
0x41: {  	_ =	shalt  }
0x42: {  	_ =	shalt  }
0x43: {  	_ =	shalt  }
0x44: {  	_ =	shalt  }
0x45: {  	_ =	shalt  }
0x46: {  	_ =	shalt  }
0x47: {  	_ =	shalt  }
0x48: {  	_ =	shalt  }
0x49: {  	_ =	shalt  }
0x4a: {  	_ =	shalt  }
0x4b: {  	_ =	shalt  }
0x4c: {  	_ =	shalt  }
0x4d: {  	_ =	shalt  }
0x4e: {  	_ =	shalt  }
0x4f: {  	_ =	shalt  }
0x50: {  	_ =	shalt  }
0x51: {  	_ =	shalt  }
0x52: {  	_ =	shalt  }
0x53: {  	_ =	shalt  }
0x54: {  	_ =	shalt  }
0x55: {  	_ =	shalt  }
0x56: {  	_ =	shalt  }
0x57: {  	_ =	shalt  }
0x58: {  	_ =	shalt  }
0x59: {  	_ =	shalt  }
0x5a: {  	_ =	shalt  }
0x5b: {  	_ =	shalt  }
0x5c: {  	_ =	shalt  }
0x5d: {  	_ =	shalt  }
0x5e: {  	_ =	shalt  }
0x5f: {  	_ =	shalt  }
0x60: {  	_ =	shalt  }
0x61: {  	_ =	shalt  }
0x62: {  	_ =	shalt  }
0x63: {  	_ =	shalt  }
0x64: {  	_ =	shalt  }
0x65: {  	_ =	shalt  }
0x66: {  	_ =	shalt  }
0x67: {  	_ =	shalt  }
0x68: {  	_ =	shalt  }
0x69: {  	_ =	shalt  }
0x6a: {  	_ =	shalt  }
0x6b: {  	_ =	shalt  }
0x6c: {  	_ =	shalt  }
0x6d: {  	_ =	shalt  }
0x6e: {  	_ =	shalt  }
0x6f: {  	_ =	shalt  }
0x70: {  	_ =	shalt  }
0x71: {  	_ =	shalt  }
0x72: {  	_ =	shalt  }
0x73: {  	_ =	shalt  }
0x74: {  	_ =	shalt  }
0x75: {  	_ =	shalt  }
0x76: {  	_ =	shalt  }
0x77: {  	_ =	shalt  }
0x78: {  	_ =	shalt  }
0x79: {  	_ =	shalt  }
0x7a: {  	_ =	shalt  }
0x7b: {  	_ =	shalt  }
0x7c: {  	_ =	shalt  }
0x7d: {  	_ =	shalt  }
0x7e: {  	_ =	shalt  }
0x7f: {  	_ =	shalt  }
0x80: {  	_ =	shalt  }
0x81: {  	_ =	shalt  }
0x82: {  	_ =	shalt  }
0x83: {  	_ =	shalt  }
0x84: {  	_ =	shalt  }
0x85: {  	_ =	shalt  }
0x86: {  	_ =	shalt  }
0x87: {  	_ =	shalt  }
.Lfunc_end0:
.L_simem_size_0:
called_computation.1_lowered:
.L_overlay_start_0:
0x88: {  	s2 =	sld [smem:$0x3FD9]  }
0x89: {  	s3 =	sld [smem:$0x3FFE];
	_ =	sdelay $0x1  }
0x8a: {  	s1 =	srdreg.scid  }
0x8b: {  	s0 =	sand.u32 $0x1, s1  }
0x8c: {  	s17 =	sshll.u32 s0, $0xA;
	s2 =	sadd.s32 s3, s2  }
0x8d: {  	s2 =	sadd.s32 s2, s17  }
0x8e: {  	[smem:$0x3FC0] =	sst s2  }
0x8f: {  	_ = 	snop  }
0x90: {  	s2 =	sld [smem:$0x3FD0];
	(tm) =	ssettm $0x1  }
0x91: {  	s18 =	sld [smem:$0x3FFB];
	_ =	sdelay $0x3  }
0x92: {  	_ =	strace s18  }
0x93: {  	s3 =	sld [smem:$0x3FFC];
	_ =	sdelay $0x3  }
0x94: {  	_ =	strace s3  }
0x95: {  	s3 =	sld [smem:$0x3FFD];
	_ =	sdelay $0x3  }
0x96: {  	_ =	strace s3  }
0x97: {  	_ =	strace $0x8FFFFFFF  }
0x98: {  	s19 =	sld [smem:$0x3FDB];
	_ =	sdelay $0x1  }
0x99: {  	s4 =	simm.s32 $_scs_section_size  }
0x9a: {  	s5 =	simm.s32 $_size__tile_overlayer_lowered;
	s6 =	simm.s32 $_tile_overlayer_lowered  }
0x9b: {  	s22 =	simm.s32 $0x1BFF;
	s21 =	sshll.u32 s6, $0x1;
	s3 =	sadd.s32 s4, s19  }
0x9c: {  	s7 =	simm.s32 $0x0;
	s20 =	sshll.u32 s5, $0x1;
	s5 =	sadd.s32 s21, s3  }
0x9d: {  	[timem:s7], [sflag:s22] =	dma.local [hbm:s5], s20  }
0x9e: {  	_ =	swait.ge [sflag:s22], s20  }
0x9f: {  	s4 =	ssub.s32 $0x0, s20;
	[sflag:s22] =	ssyncset.done $0x0  }
0xa0: {  	[sflag:s22] =	ssyncadd.s32 s4;
	_ =	sdelay $0x1  }
0xa1: {  	s23 =	simm.s32 $0x1B8B  }
0xa2: {  	_ =	swait.ge [sflag:s23], $0x1  }
0xa3: {  	[sflag:s23] =	ssyncset.done $0x0  }
0xa4: {  	s25 =	simm.s32 $0x1B8E;
	s24 =	sld [smem:$0x3FFE];
	[sflag:s23] =	ssyncadd.s32 $0xFFFFFFFF  }
0xa5: {  	s26 =	simm.s32 $execute0_lowered;
	[smem:$0x3FD2] =	sst s25  }
0xa6: {  	s5 =	sshll.u32 s26, $0x1;
	_ =	strace $0x80000049;
	[dreg:$0x1] =	wrdreg $0xFFFFFFFF  }
0xa7: {  	s28 =	simm.s32 $_size_execute0_lowered;
	s3 =	sadd.s32 s3, s5;
	[dreg:$0x0] =	wrdreg $0x0  }
0xa8: {  	s5 =	sshll.u32 s28, $0x1;
	[dreg:$0x2] =	wrdreg s3  }
0xa9: {  	[dreg:$0x3] =	wrdreg s5  }
0xaa: {  	[dreg:$0x4] =	wrdreg $0xC0  }
0xab: {  	_ =	task [dreg:s7], $0x5FFFF  }
0xac: {  	[dreg:$0x1] =	wrdreg $0xFFFFFFFF  }
0xad: {  	[dreg:$0x0] =	wrdreg $0x60  }
0xae: {  	[dreg:$0x2] =	wrdreg s24  }
0xaf: {  	[dreg:$0x3] =	wrdreg s2  }
0xb0: {  	[dreg:$0x4] =	wrdreg $0x41000  }
0xb1: {  	[dreg:$0x5] =	wrdreg $0x9  }
0xb2: {  	_ =	task.clear_ibuf [dreg:s7], $0x6FFFF;
	_ =	strace $0x90000049  }
0xb3: {  	s29 =	simm.s32 $0x9;
	_ =	strace $0x8000004B  }
0xb4: {  	_ =	swait.ge [sflag:s29], $0x1  }
0xb5: {  	[sflag:s29] =	ssyncadd.s32 $0xFFFFFFFF  }
0xb6: {  	_ =	strace $0x9000004B  }
0xb7: {  	_ =	sfence  }
0xb8: {  	s30 =	sld [smem:$0x0];
	_ =	sdelay $0x2  }
0xb9: {  	s31 =	sshll.u32 s1, $0xD;
	s1 =	sshrl.u32 s1, $0x2  }
0xba: {  	s3 =	sand.u32 $0x4000, s31;
	s1 =	sadd.s32 s1, s30  }
0xbb: {  	s0 =	sor.u32 s3, s0;
	s1 =	sshll.u32 s1, $0x11  }
0xbc: {  	s0 =	sor.u32 s1, s0  }
0xbd: {  	s0 =	sadd.s32 $0x8F2B, s0  }
0xbe: {  	[sflag:s0] =	ssyncadd.remote.s32 $0x1  }
0xbf: {  	_ =	sfence.sel $0xFFFF  }
0xc0: {  	[dreg:$0x0] =	wrdreg $0xFFFFFFFF;
	(pc) =	sbr.abs _section_cstart, $3  }
0xc1: {  	[dreg:$0x1] =	wrdreg $0xFFFFFFFF  }
0xc2: {  	_ =	task.clear_ibuf [dreg:s7], $0x2FFFF;
	_ =	strace $0x9FFFFFFF  }
0xc3: {  	(tm) =	ssettm $0x7FFFFFFF  }
tec
execute0_lowered:
.L_overlay_start_1:
0x0: {  	(tag) =	ssettag $0x1  }
0x1: {  	s5 =	rddreg [dreg:$0x0]  }
0x2: {  	s8 =	rddreg [dreg:$0x1]  }
0x3: {  	s2 =	rddreg [dreg:$0x2]  }
0x4: {  	s0 =	rddreg [dreg:$0x3]  }
0x5: {  	s1 =	stileid.u32;
	s4 =	srdreg.scid  }
0x6: {  	s3 =	simm.s32 $0x0;
	s16 =	simm.s32 $0x0;
	s9 =	smul.u32 $0x9E0, s1  }
0x7: {  	s6 =	smul.u32 $0x14000, s1;
	s7 =	sand.u32 $0x1, s4;
	[smem:$0x7FF] =	sst s3  }
0x8: {  	s4 =	sadd.s32 $0x2000, s5;
	s14 =	smul.u32 $0x50000, s1;
	s30 =	sshll.u32 s1, $0x6  }
0x9: {  	s10 =	smul.u32 $0x140000, s7;
	_ =	strace $0x8000004A;
	s28 =	ssub.s32 $0x2, s7  }
0xa: {  	s31 =	smul.u32 $0x4F0, s7;
	s11 =	sadd.s32 s9, s5;
	s12 =	sshrl.u32 s6, $0x3  }
0xb: {  	s13 =	sshrl.u32 s28, $0x1;
	s29 =	sshrl.u32 s14, $0x2;
	s9 =	sadd.s32 s9, s8  }
0xc: {  	s6 =	sadd.s32 s6, s10;
	s12 =	sadd.s32 s12, s5;
	s10 =	ssub.s32 s28, s13  }
0xd: {  	s14 =	sadd.s32 s29, s2;
	s11 =	sadd.s32 s31, s11;
	s9 =	sadd.s32 s31, s9  }
0xe: {  	s13 =	simm.s32 $0x80;
	s6 =	sshrl.u32 s6, $0x3;
	s8 =	smax.u32 s10, $0x1  }
0xf: {  	s10 =	sadd.s32 $0x7A800, s11;
	s11 =	sshrl.u32 s14, $0x3;
	s14 =	simm.s32 $0x100  }
0x10: {  	s15 =	sadd.s32 s6, s5;
	s5 =	sadd.s32 $0x2A000, s12;
	s6 =	sor.u32 $0x1C02, s30  }
0x11: {  	s12 =	simm.s32 $0x2;
	s7 =	sadd.s32 $0x84600, s15;
	s15 =	simm.s32 $0x1  }
.LBB2_1:
0x12: {  	[spmem:s11], [sflag:s6] =	dma.local [hbm:s5], $0x2800  }
0x13: {  	_ =	swait.ge [sflag:s12], $0x2800  }
0x14: {  	[sflag:s12] =	ssyncset.done $0x0  }
0x15: {  	[sflag:s12] =	ssyncadd.s32 $0xFFFFD800  }
0x16: {  	s17 =	sadd.s32 $0x0, s10;
	[bflag:$0x0] =	sbarrier.arrive $0xFFFF  }
0x17: {  	[tilespmem:s3], [sflag:$0x2] =	stream.linear.gather [hbm4b:s17+s3], $0x80, $0x38;
	[tilespmem:$0x18100] =	vst v63  }
0x18: {  	_ =	swait.ge [sflag:s12], $0x80  }
0x19: {  	[sflag:s12] =	ssyncset.done $0x0  }
0x1a: {  	s31 =	sadd.s32 $0x0, s9;
	[sflag:s12] =	ssyncadd.s32 $0xFFFFFF80  }
0x1b: {  	[tilespmem:s13], [sflag:$0x2] =	stream.linear.gather [hbm4b:s31+s3], $0x80, $0x38;
	[tilespmem:$0x18100] =	vst v63  }
0x1c: {  	_ =	swait.ge [sflag:s12], $0x80  }
0x1d: {  	[sflag:s12] =	ssyncset.done $0x0  }
0x1e: {  	[sflag:s12] =	ssyncadd.s32 $0xFFFFFF80  }
0x1f: {  	[tilespmem:s14], [sflag:$0x1] =	stream.indirect.gather [hbm4b:s4+s13], $0x80, s3, s13, $0xb8;
	[tilespmem:$0x18100] =	vst v63  }
0x20: {  	_ =	swait.ge [sflag:s15], $0x4000  }
0x21: {  	[sflag:s15] =	ssyncset.done $0x0  }
0x22: {  	[sflag:s15] =	ssyncadd.s32 $0xFFFFC000  }
0x23: {  	[spmem:s2] =	stream.indirect.scatter.add.f32 [tilespmem:s14], [sflag:$0x2], $0x80, s13, s13, $0xb8;
	[tilespmem:$0x18100] =	vst v63  }
0x24: {  	_ =	swait.ge [sflag:s12], $0x4000  }
0x25: {  	s18 =	simm.s32 $0x20;
	s17 =	simm.s32 $0x10;
	[sflag:s12] =	ssyncset.done $0x0  }
.LBB2_2:
0x26: {  	s19 =	sadd.s32 s17, s10  }
0x27: {  	[sflag:s12] =	ssyncadd.s32 $0xFFFFC000;
	s20 =	smov.u32 s18;
	s21 =	sadd.s32 $0x10, s18  }
0x28: {  	[tilespmem:s3], [sflag:$0x2] =	stream.linear.gather [hbm4b:s19+s3], $0x80, $0x38;
	[tilespmem:$0x18100] =	vst v63  }
0x29: {  	p0 =	sne.s32 s18, $0x4E0;
	_ =	swait.ge [sflag:s12], $0x80  }
0x2a: {  	[sflag:s12] =	ssyncset.done $0x0  }
0x2b: {  	s18 =	sadd.s32 s17, s9;
	s17 =	smov.u32 s20;
	[sflag:s12] =	ssyncadd.s32 $0xFFFFFF80  }
0x2c: {  	[tilespmem:s13], [sflag:$0x2] =	stream.linear.gather [hbm4b:s18+s3], $0x80, $0x38;
	[tilespmem:$0x18100] =	vst v63  }
0x2d: {  	_ =	swait.ge [sflag:s12], $0x80  }
0x2e: {  	[sflag:s12] =	ssyncset.done $0x0  }
0x2f: {  	[sflag:s12] =	ssyncadd.s32 $0xFFFFFF80  }
0x30: {  	[tilespmem:s14], [sflag:$0x1] =	stream.indirect.gather [hbm4b:s4+s13], $0x80, s3, s13, $0xb8;
	[tilespmem:$0x18100] =	vst v63  }
0x31: {  	_ =	swait.ge [sflag:s15], $0x4000  }
.Ltmp0:
0x32: {  	[sflag:s15] =	ssyncset.done $0x0;
	(pc) =	sbr.rel @p0 .LBB2_2-.Ltmp0, $4  }
0x33: {  	[sflag:s15] =	ssyncadd.s32 $0xFFFFC000  }
0x34: {  	[spmem:s2] =	stream.indirect.scatter.add.f32 [tilespmem:s14], [sflag:$0x2], $0x80, s13, s13, $0xb8;
	[tilespmem:$0x18100] =	vst v63  }
0x35: {  	_ =	swait.ge [sflag:s12], $0x4000  }
0x36: {  	s18 =	smov.u32 s21;
	[sflag:s12] =	ssyncset.done $0x0  }
0x37: {  	s18 =	sadd.s32 s17, s10;
	[sflag:s12] =	ssyncadd.s32 $0xFFFFC000  }
0x38: {  	[tilespmem:s3], [sflag:$0x2] =	stream.linear.gather [hbm4b:s18+s3], $0x80, $0x38;
	[tilespmem:$0x18100] =	vst v63  }
0x39: {  	_ =	swait.ge [sflag:s12], $0x80  }
0x3a: {  	[sflag:s12] =	ssyncset.done $0x0  }
0x3b: {  	s31 =	sadd.s32 s17, s9;
	[sflag:s12] =	ssyncadd.s32 $0xFFFFFF80  }
0x3c: {  	[tilespmem:s13], [sflag:$0x2] =	stream.linear.gather [hbm4b:s31+s3], $0x80, $0x38;
	[tilespmem:$0x18100] =	vst v63  }
0x3d: {  	_ =	swait.ge [sflag:s12], $0x80  }
0x3e: {  	[sflag:s12] =	ssyncset.done $0x0  }
0x3f: {  	[sflag:s12] =	ssyncadd.s32 $0xFFFFFF80  }
0x40: {  	[tilespmem:s14], [sflag:$0x1] =	stream.indirect.gather [hbm4b:s4+s13], $0x80, s3, s13, $0xb8;
	[tilespmem:$0x18100] =	vst v63  }
0x41: {  	_ =	swait.ge [sflag:s15], $0x4000  }
0x42: {  	[sflag:s15] =	ssyncset.done $0x0  }
0x43: {  	[sflag:s15] =	ssyncadd.s32 $0xFFFFC000  }
0x44: {  	[spmem:s2] =	stream.indirect.scatter.add.f32 [tilespmem:s14], [sflag:$0x2], $0x80, s13, s13, $0xb8;
	[tilespmem:$0x18100] =	vst v63  }
0x45: {  	_ =	swait.ge [sflag:s12], $0x4000  }
0x46: {  	s16 =	sadd.s32 $0x1, s16;
	[sflag:s12] =	ssyncset.done $0x0  }
0x47: {  	p0 =	sne.s32 s16, s8;
	[sflag:s12] =	ssyncadd.s32 $0xFFFFC000  }
.Ltmp1:
0x48: {  	[bflag:$0x0] =	sbarrier.arrive $0xFFFF;
	(pc) =	sbr.rel @p0 .LBB2_1-.Ltmp1, $4  }
0x49: {  	[hbm:s7], [sflag:s6] =	dma.local [spmem:s11], $0x2800  }
0x4a: {  	_ =	swait.ge [sflag:s12], $0x2800  }
0x4b: {  	[sflag:s12] =	ssyncset.done $0x0  }
0x4c: {  	[sflag:s12] =	ssyncadd.s32 $0xFFFFD800  }
0x4d: {  	_ =	sfence.sel $0x180000  }
0x4e: {  	[bflag:$0x0] =	sbarrier.arrive $0xFFFF  }
0x4f: {  	p0 =	sne.s32 s1, $0x0;
	_ =	strace $0x9000004A  }
0x50: {  	s0 =	sadd.s32 @!p0 $0x100000, s0;
	[bflag:$0x2] =	sbarrier.arrive $0xFFFF  }
0x51: {  	[sflag:s0] =	ssyncadd.tile.s32 @!p0 $0x1;
	_ =	shalt  }
.Lfunc_end2:
_tile_overlayer_lowered:
.L_overlay_start_2:
0x52: {  	(tag) =	ssettag $0x2  }
0x53: {  	s0 =	rddreg [dreg:$0x0];
	s2 =	stileid.u32  }
0x54: {  	s1 =	rddreg [dreg:$0x1];
	p0 =	sne.s32 s2, $0x0  }
0x55: {  	s3 =	rddreg [dreg:$0x2];
	[bflag:$0x3] =	sbarrier.arrive $0xFFFF;
	s2 =	simm.s32 @!p0 $0x1C02  }
0x56: {  	[timem:s3], [sflag:s2] =	dma.local @!p0 [hbm:s0], s1  }
0x57: {  	s0 =	simm.s32 @!p0 $0x2  }
0x58: {  	_ =	swait.ge @!p0 [sflag:s0], s1  }
0x59: {  	s1 =	ssub.s32 @!p0 $0x0, s1;
	[sflag:s0] =	ssyncset.done @!p0 $0x0  }
0x5a: {  	[sflag:s0] =	ssyncadd.s32 @!p0 s1  }
0x5b: {  	[bflag:$0x3] =	sbarrier.arrive $0xFFFF  }
0x5c: {  	_ =	shalt  }

// kernel: kernel.15.cloned.1.call-start
scs
__scs_entry_jumppad:
0x0: {  	(pc) =	sbr.rel $0x88, $3  }
0x1: {  	(tag) =	ssettag $0x0;
	lr =	simm.s32 $0x1  }
0x2: {  	[smem:$0x3F99] =	sst lr;
	_ =	strace $0xD0000000  }
0x3: {  	_ = 	snop  }
0x4: {  	_ = 	snop  }
0x5: {  	_ = 	snop  }
0x6: {  	_ = 	snop  }
0x7: {  	_ = 	snop  }
__scs_overlays_trampoline_lowered:
0x8: {  	[smem:$0x3FA8] =	sst s0  }
0x9: {  	[smem:$0x3FA9] =	sst s1  }
0xa: {  	[smem:$0x3FAA] =	sst s2  }
0xb: {  	[smem:$0x3FAB] =	sst s3  }
0xc: {  	[smem:$0x3FAC] =	sst s4  }
0xd: {  	[smem:$0x3FAD] =	sst s5  }
0xe: {  	[smem:$0x3FAE] =	sst s6  }
0xf: {  	[smem:$0x3FAF] =	sst s7  }
0x10: {  	[smem:$0x3FB0] =	sst s8  }
0x11: {  	[smem:$0x3FB1] =	sst s9;
	s0 =	simm.s32 @!p0 $0x0  }
0x12: {  	s1 =	sld [smem:$0x3F97];
	s0 =	simm.s32 @p0 $0x1  }
0x13: {  	[smem:$0x3FB2] =	sst s0;
	s0 =	simm.s32 @!p1 $0x0  }
0x14: {  	s2 =	sld [smem:$0x3F96];
	s0 =	simm.s32 @p1 $0x1  }
0x15: {  	[smem:$0x3FB3] =	sst s0;
	s0 =	simm.s32 @!p2 $0x0  }
0x16: {  	s3 =	sld [smem:$0x3FDB];
	s0 =	simm.s32 @p2 $0x1  }
0x17: {  	s4 =	simm.s32 $0x1BF5;
	[smem:$0x3FB5] =	sst s0  }
0x18: {  	s0 =	sld [smem:$0x3F98];
	_ =	swait.ge [sflag:s4], $0x0  }
0x19: {  	s7 =	sld [smem:$0x3F99]  }
0x1a: {  	s8 =	sadd.s32 $0xFFFFE003, lr  }
0x1b: {  	s9 =	sadd.s32 $0xFFFFFEF7, lr;
	s5 =	simm.s32 $0xFFFFFFFF;
	p2 =	slt.u32 s8, $0xFFFFF086  }
0x1c: {  	p1 =	slt.u32 s9, $0xF7A;
	s5 =	simm.s32 @!p2 $0x0  }
0x1d: {  	s5 =	simm.s32 @p1 $0x1;
	p0 =	seq.s32 s7, s2  }
0x1e: {  	s7 =	smul.u32 @!p0 $0xF7A, s2;
	p2 =	seq.s32 @!p0 s5, $0x0  }
0x1f: {  	s9 =	smul.u32 $0xF7A, s1;
	s8 =	simm.s32 @!p0 $0x1BF5;
	p2 =	por !p2, p0  }
0x20: {  	[sflag:s8] =	ssyncset.s32 @!p0 $0xFFFFF086;
	s6 =	sadd.s32 @!p0 s3, s7;
	s7 =	simm.s32 @!p0 $0x108  }
0x21: {  	s3 =	sadd.s32 s3, s9;
	s6 =	sadd.s32 @!p0 $0x88, s6;
	s7 =	simm.s32 @p2 $0x1082  }
0x22: {  	[simem:s7], [sflag:s8] =	dma.local @!p0 [hbm:s6], $0xF7A  }
0x23: {  	s9 =	sor.u32 $0xD0000000, s2;
	s6 =	simm.s32 $0x108;
	_ =	swait.ge @!p0 [sflag:s8], $0x0  }
0x24: {  	s3 =	sadd.s32 $0x88, s3;
	s6 =	simm.s32 @!p1 $0x1082;
	[sflag:s4] =	ssyncset.s32 $0xFFFFF086  }
0x25: {  	[simem:s6], [sflag:s4] =	dma.local [hbm:s3], $0xF7A  }
0x26: {  	[smem:$0x3F99] =	sst s1;
	(tag) =	ssettag s2;
	_ =	strace s9  }
0x27: {  	s1 =	sld [smem:$0x3FA9]  }
0x28: {  	s2 =	sld [smem:$0x3FAA]  }
0x29: {  	s4 =	sld [smem:$0x3FAC]  }
0x2a: {  	p0 =	seq.s32 s5, $0x0;
	s5 =	sld [smem:$0x3FAD]  }
0x2b: {  	s6 =	sld [smem:$0x3FAE]  }
0x2c: {  	s7 =	sld [smem:$0x3FAF]  }
0x2d: {  	s3 =	simm.s32 $0x108;
	s8 =	sld [smem:$0x3FB0]  }
0x2e: {  	s3 =	simm.s32 @!p0 $0x1082;
	s9 =	sld [smem:$0x3FB1]  }
0x2f: {  	lr =	sadd.s32 s0, s3;
	s0 =	sld [smem:$0x3FA8]  }
0x30: {  	s3 =	sld [smem:$0x3FAB]  }
0x31: {  	[smem:$0x3FB4] =	sst s10  }
0x32: {  	s10 =	sld [smem:$0x3FB2];
	_ =	sdelay $0x3  }
0x33: {  	p0 =	seq.s32 s10, $0x1;
	s10 =	sld [smem:$0x3FB4];
	_ =	sdelay $0x3  }
0x34: {  	[smem:$0x3FB4] =	sst s10  }
0x35: {  	s10 =	sld [smem:$0x3FB3];
	_ =	sdelay $0x3  }
0x36: {  	p1 =	seq.s32 s10, $0x1;
	s10 =	sld [smem:$0x3FB4];
	_ =	sdelay $0x3  }
0x37: {  	[smem:$0x3FB4] =	sst s10  }
0x38: {  	s10 =	sld [smem:$0x3FB5]  }
0x39: {  	_ = 	snop;
	(pc) =	sbr.ind lr, $3  }
0x3a: {  	_ = 	snop  }
0x3b: {  	_ = 	snop  }
0x3c: {  	p2 =	seq.s32 s10, $0x1;
	s10 =	sld [smem:$0x3FB4]  }
0x3d: {  	_ =	shalt  }
0x3e: {  	_ =	shalt  }
0x3f: {  	_ =	shalt  }
0x40: {  	_ =	shalt  }
0x41: {  	_ =	shalt  }
0x42: {  	_ =	shalt  }
0x43: {  	_ =	shalt  }
0x44: {  	_ =	shalt  }
0x45: {  	_ =	shalt  }
0x46: {  	_ =	shalt  }
0x47: {  	_ =	shalt  }
0x48: {  	_ =	shalt  }
0x49: {  	_ =	shalt  }
0x4a: {  	_ =	shalt  }
0x4b: {  	_ =	shalt  }
0x4c: {  	_ =	shalt  }
0x4d: {  	_ =	shalt  }
0x4e: {  	_ =	shalt  }
0x4f: {  	_ =	shalt  }
0x50: {  	_ =	shalt  }
0x51: {  	_ =	shalt  }
0x52: {  	_ =	shalt  }
0x53: {  	_ =	shalt  }
0x54: {  	_ =	shalt  }
0x55: {  	_ =	shalt  }
0x56: {  	_ =	shalt  }
0x57: {  	_ =	shalt  }
0x58: {  	_ =	shalt  }
0x59: {  	_ =	shalt  }
0x5a: {  	_ =	shalt  }
0x5b: {  	_ =	shalt  }
0x5c: {  	_ =	shalt  }
0x5d: {  	_ =	shalt  }
0x5e: {  	_ =	shalt  }
0x5f: {  	_ =	shalt  }
0x60: {  	_ =	shalt  }
0x61: {  	_ =	shalt  }
0x62: {  	_ =	shalt  }
0x63: {  	_ =	shalt  }
0x64: {  	_ =	shalt  }
0x65: {  	_ =	shalt  }
0x66: {  	_ =	shalt  }
0x67: {  	_ =	shalt  }
0x68: {  	_ =	shalt  }
0x69: {  	_ =	shalt  }
0x6a: {  	_ =	shalt  }
0x6b: {  	_ =	shalt  }
0x6c: {  	_ =	shalt  }
0x6d: {  	_ =	shalt  }
0x6e: {  	_ =	shalt  }
0x6f: {  	_ =	shalt  }
0x70: {  	_ =	shalt  }
0x71: {  	_ =	shalt  }
0x72: {  	_ =	shalt  }
0x73: {  	_ =	shalt  }
0x74: {  	_ =	shalt  }
0x75: {  	_ =	shalt  }
0x76: {  	_ =	shalt  }
0x77: {  	_ =	shalt  }
0x78: {  	_ =	shalt  }
0x79: {  	_ =	shalt  }
0x7a: {  	_ =	shalt  }
0x7b: {  	_ =	shalt  }
0x7c: {  	_ =	shalt  }
0x7d: {  	_ =	shalt  }
0x7e: {  	_ =	shalt  }
0x7f: {  	_ =	shalt  }
0x80: {  	_ =	shalt  }
0x81: {  	_ =	shalt  }
0x82: {  	_ =	shalt  }
0x83: {  	_ =	shalt  }
0x84: {  	_ =	shalt  }
0x85: {  	_ =	shalt  }
0x86: {  	_ =	shalt  }
0x87: {  	_ =	shalt  }
.Lfunc_end0:
.L_simem_size_0:
called_computation.2_lowered:
.L_overlay_start_0:
0x88: {  	s2 =	sld [smem:$0x3FD9]  }
0x89: {  	s3 =	sld [smem:$0x3FFE];
	_ =	sdelay $0x1  }
0x8a: {  	s1 =	srdreg.scid  }
0x8b: {  	s0 =	sand.u32 $0x1, s1  }
0x8c: {  	s17 =	sshll.u32 s0, $0xA;
	s2 =	sadd.s32 s3, s2  }
0x8d: {  	s2 =	sadd.s32 s2, s17  }
0x8e: {  	[smem:$0x3FC0] =	sst s2  }
0x8f: {  	_ = 	snop  }
0x90: {  	s2 =	sld [smem:$0x3FD0];
	(tm) =	ssettm $0x1  }
0x91: {  	s18 =	sld [smem:$0x3FFB];
	_ =	sdelay $0x3  }
0x92: {  	_ =	strace s18  }
0x93: {  	s3 =	sld [smem:$0x3FFC];
	_ =	sdelay $0x3  }
0x94: {  	_ =	strace s3  }
0x95: {  	s3 =	sld [smem:$0x3FFD];
	_ =	sdelay $0x3  }
0x96: {  	_ =	strace s3  }
0x97: {  	_ =	strace $0x8FFFFFFF  }
0x98: {  	s19 =	sld [smem:$0x3FDB];
	_ =	sdelay $0x1  }
0x99: {  	s4 =	simm.s32 $_scs_section_size  }
0x9a: {  	s5 =	simm.s32 $_size__tile_overlayer_lowered;
	s6 =	simm.s32 $_tile_overlayer_lowered  }
0x9b: {  	s22 =	simm.s32 $0x1BFF;
	s21 =	sshll.u32 s6, $0x1;
	s3 =	sadd.s32 s4, s19  }
0x9c: {  	s7 =	simm.s32 $0x0;
	s20 =	sshll.u32 s5, $0x1;
	s5 =	sadd.s32 s21, s3  }
0x9d: {  	[timem:s7], [sflag:s22] =	dma.local [hbm:s5], s20  }
0x9e: {  	_ =	swait.ge [sflag:s22], s20  }
0x9f: {  	s4 =	ssub.s32 $0x0, s20;
	[sflag:s22] =	ssyncset.done $0x0  }
0xa0: {  	[sflag:s22] =	ssyncadd.s32 s4;
	_ =	sdelay $0x1  }
0xa1: {  	s23 =	simm.s32 $0x1B8B  }
0xa2: {  	_ =	swait.ge [sflag:s23], $0x1  }
0xa3: {  	[sflag:s23] =	ssyncset.done $0x0  }
0xa4: {  	s25 =	simm.s32 $0x1B8E;
	s24 =	sld [smem:$0x3FFE];
	[sflag:s23] =	ssyncadd.s32 $0xFFFFFFFF  }
0xa5: {  	s26 =	simm.s32 $execute0_lowered;
	[smem:$0x3FD2] =	sst s25  }
0xa6: {  	s5 =	sshll.u32 s26, $0x1;
	_ =	strace $0x8000004C;
	[dreg:$0x1] =	wrdreg $0xFFFFFFFF  }
0xa7: {  	s28 =	simm.s32 $_size_execute0_lowered;
	s3 =	sadd.s32 s3, s5;
	[dreg:$0x0] =	wrdreg $0x0  }
0xa8: {  	s5 =	sshll.u32 s28, $0x1;
	[dreg:$0x2] =	wrdreg s3  }
0xa9: {  	[dreg:$0x3] =	wrdreg s5  }
0xaa: {  	[dreg:$0x4] =	wrdreg $0xC0  }
0xab: {  	_ =	task [dreg:s7], $0x5FFFF  }
0xac: {  	[dreg:$0x1] =	wrdreg $0xFFFFFFFF  }
0xad: {  	[dreg:$0x0] =	wrdreg $0x60  }
0xae: {  	[dreg:$0x2] =	wrdreg s24  }
0xaf: {  	[dreg:$0x3] =	wrdreg s2  }
0xb0: {  	[dreg:$0x4] =	wrdreg $0x41000  }
0xb1: {  	[dreg:$0x5] =	wrdreg $0x9  }
0xb2: {  	_ =	task.clear_ibuf [dreg:s7], $0x6FFFF;
	_ =	strace $0x9000004C  }
0xb3: {  	s29 =	simm.s32 $0x9;
	_ =	strace $0x8000004E  }
0xb4: {  	_ =	swait.ge [sflag:s29], $0x1  }
0xb5: {  	[sflag:s29] =	ssyncadd.s32 $0xFFFFFFFF  }
0xb6: {  	_ =	strace $0x9000004E  }
0xb7: {  	_ =	sfence  }
0xb8: {  	s30 =	sld [smem:$0x0];
	_ =	sdelay $0x2  }
0xb9: {  	s31 =	sshll.u32 s1, $0xD;
	s1 =	sshrl.u32 s1, $0x2  }
0xba: {  	s3 =	sand.u32 $0x4000, s31;
	s1 =	sadd.s32 s1, s30  }
0xbb: {  	s0 =	sor.u32 s3, s0;
	s1 =	sshll.u32 s1, $0x11  }
0xbc: {  	s0 =	sor.u32 s1, s0  }
0xbd: {  	s0 =	sadd.s32 $0x8F2B, s0  }
0xbe: {  	[sflag:s0] =	ssyncadd.remote.s32 $0x1  }
0xbf: {  	_ =	sfence.sel $0xFFFF  }
0xc0: {  	[dreg:$0x0] =	wrdreg $0xFFFFFFFF;
	(pc) =	sbr.abs _section_cstart, $3  }
0xc1: {  	[dreg:$0x1] =	wrdreg $0xFFFFFFFF  }
0xc2: {  	_ =	task.clear_ibuf [dreg:s7], $0x2FFFF;
	_ =	strace $0x9FFFFFFF  }
0xc3: {  	(tm) =	ssettm $0x7FFFFFFF  }
tec
execute0_lowered:
.L_overlay_start_1:
0x0: {  	(tag) =	ssettag $0x1  }
0x1: {  	s5 =	rddreg [dreg:$0x0]  }
0x2: {  	s8 =	rddreg [dreg:$0x1]  }
0x3: {  	s2 =	rddreg [dreg:$0x2]  }
0x4: {  	s0 =	rddreg [dreg:$0x3]  }
0x5: {  	s1 =	stileid.u32;
	s4 =	srdreg.scid  }
0x6: {  	s3 =	simm.s32 $0x0;
	s16 =	simm.s32 $0x0;
	s9 =	smul.u32 $0x9E0, s1  }
0x7: {  	s6 =	smul.u32 $0x14000, s1;
	s7 =	sand.u32 $0x1, s4;
	[smem:$0x7FF] =	sst s3  }
0x8: {  	s4 =	sadd.s32 $0x2000, s5;
	s14 =	smul.u32 $0x50000, s1;
	s30 =	sshll.u32 s1, $0x6  }
0x9: {  	s10 =	smul.u32 $0x140000, s7;
	_ =	strace $0x8000004D;
	s28 =	ssub.s32 $0x2, s7  }
0xa: {  	s31 =	smul.u32 $0x4F0, s7;
	s11 =	sadd.s32 s9, s5;
	s12 =	sshrl.u32 s6, $0x3  }
0xb: {  	s13 =	sshrl.u32 s28, $0x1;
	s29 =	sshrl.u32 s14, $0x2;
	s9 =	sadd.s32 s9, s8  }
0xc: {  	s6 =	sadd.s32 s6, s10;
	s12 =	sadd.s32 s12, s5;
	s10 =	ssub.s32 s28, s13  }
0xd: {  	s14 =	sadd.s32 s29, s2;
	s11 =	sadd.s32 s31, s11;
	s9 =	sadd.s32 s31, s9  }
0xe: {  	s13 =	simm.s32 $0x80;
	s6 =	sshrl.u32 s6, $0x3;
	s8 =	smax.u32 s10, $0x1  }
0xf: {  	s10 =	sadd.s32 $0x7A800, s11;
	s11 =	sshrl.u32 s14, $0x3;
	s14 =	simm.s32 $0x100  }
0x10: {  	s15 =	sadd.s32 s6, s5;
	s5 =	sadd.s32 $0x2A000, s12;
	s6 =	sor.u32 $0x1C02, s30  }
0x11: {  	s12 =	simm.s32 $0x2;
	s7 =	sadd.s32 $0x84600, s15;
	s15 =	simm.s32 $0x1  }
.LBB2_1:
0x12: {  	[spmem:s11], [sflag:s6] =	dma.local [hbm:s5], $0x2800  }
0x13: {  	_ =	swait.ge [sflag:s12], $0x2800  }
0x14: {  	[sflag:s12] =	ssyncset.done $0x0  }
0x15: {  	[sflag:s12] =	ssyncadd.s32 $0xFFFFD800  }
0x16: {  	s17 =	sadd.s32 $0x0, s10;
	[bflag:$0x0] =	sbarrier.arrive $0xFFFF  }
0x17: {  	[tilespmem:s3], [sflag:$0x2] =	stream.linear.gather [hbm4b:s17+s3], $0x80, $0x38;
	[tilespmem:$0x18100] =	vst v63  }
0x18: {  	_ =	swait.ge [sflag:s12], $0x80  }
0x19: {  	[sflag:s12] =	ssyncset.done $0x0  }
0x1a: {  	s31 =	sadd.s32 $0x0, s9;
	[sflag:s12] =	ssyncadd.s32 $0xFFFFFF80  }
0x1b: {  	[tilespmem:s13], [sflag:$0x2] =	stream.linear.gather [hbm4b:s31+s3], $0x80, $0x38;
	[tilespmem:$0x18100] =	vst v63  }
0x1c: {  	_ =	swait.ge [sflag:s12], $0x80  }
0x1d: {  	[sflag:s12] =	ssyncset.done $0x0  }
0x1e: {  	[sflag:s12] =	ssyncadd.s32 $0xFFFFFF80  }
0x1f: {  	[tilespmem:s14], [sflag:$0x1] =	stream.indirect.gather [hbm4b:s4+s13], $0x80, s3, s13, $0xb8;
	[tilespmem:$0x18100] =	vst v63  }
0x20: {  	_ =	swait.ge [sflag:s15], $0x4000  }
0x21: {  	[sflag:s15] =	ssyncset.done $0x0  }
0x22: {  	[sflag:s15] =	ssyncadd.s32 $0xFFFFC000  }
0x23: {  	[spmem:s2] =	stream.indirect.scatter.add.f32 [tilespmem:s14], [sflag:$0x2], $0x80, s13, s13, $0xb8;
	[tilespmem:$0x18100] =	vst v63  }
0x24: {  	_ =	swait.ge [sflag:s12], $0x4000  }
0x25: {  	s18 =	simm.s32 $0x20;
	s17 =	simm.s32 $0x10;
	[sflag:s12] =	ssyncset.done $0x0  }
.LBB2_2:
0x26: {  	s19 =	sadd.s32 s17, s10  }
0x27: {  	[sflag:s12] =	ssyncadd.s32 $0xFFFFC000;
	s20 =	smov.u32 s18;
	s21 =	sadd.s32 $0x10, s18  }
0x28: {  	[tilespmem:s3], [sflag:$0x2] =	stream.linear.gather [hbm4b:s19+s3], $0x80, $0x38;
	[tilespmem:$0x18100] =	vst v63  }
0x29: {  	p0 =	sne.s32 s18, $0x4E0;
	_ =	swait.ge [sflag:s12], $0x80  }
0x2a: {  	[sflag:s12] =	ssyncset.done $0x0  }
0x2b: {  	s18 =	sadd.s32 s17, s9;
	s17 =	smov.u32 s20;
	[sflag:s12] =	ssyncadd.s32 $0xFFFFFF80  }
0x2c: {  	[tilespmem:s13], [sflag:$0x2] =	stream.linear.gather [hbm4b:s18+s3], $0x80, $0x38;
	[tilespmem:$0x18100] =	vst v63  }
0x2d: {  	_ =	swait.ge [sflag:s12], $0x80  }
0x2e: {  	[sflag:s12] =	ssyncset.done $0x0  }
0x2f: {  	[sflag:s12] =	ssyncadd.s32 $0xFFFFFF80  }
0x30: {  	[tilespmem:s14], [sflag:$0x1] =	stream.indirect.gather [hbm4b:s4+s13], $0x80, s3, s13, $0xb8;
	[tilespmem:$0x18100] =	vst v63  }
0x31: {  	_ =	swait.ge [sflag:s15], $0x4000  }
.Ltmp0:
0x32: {  	[sflag:s15] =	ssyncset.done $0x0;
	(pc) =	sbr.rel @p0 .LBB2_2-.Ltmp0, $4  }
0x33: {  	[sflag:s15] =	ssyncadd.s32 $0xFFFFC000  }
0x34: {  	[spmem:s2] =	stream.indirect.scatter.add.f32 [tilespmem:s14], [sflag:$0x2], $0x80, s13, s13, $0xb8;
	[tilespmem:$0x18100] =	vst v63  }
0x35: {  	_ =	swait.ge [sflag:s12], $0x4000  }
0x36: {  	s18 =	smov.u32 s21;
	[sflag:s12] =	ssyncset.done $0x0  }
0x37: {  	s18 =	sadd.s32 s17, s10;
	[sflag:s12] =	ssyncadd.s32 $0xFFFFC000  }
0x38: {  	[tilespmem:s3], [sflag:$0x2] =	stream.linear.gather [hbm4b:s18+s3], $0x80, $0x38;
	[tilespmem:$0x18100] =	vst v63  }
0x39: {  	_ =	swait.ge [sflag:s12], $0x80  }
0x3a: {  	[sflag:s12] =	ssyncset.done $0x0  }
0x3b: {  	s31 =	sadd.s32 s17, s9;
	[sflag:s12] =	ssyncadd.s32 $0xFFFFFF80  }
0x3c: {  	[tilespmem:s13], [sflag:$0x2] =	stream.linear.gather [hbm4b:s31+s3], $0x80, $0x38;
	[tilespmem:$0x18100] =	vst v63  }
0x3d: {  	_ =	swait.ge [sflag:s12], $0x80  }
0x3e: {  	[sflag:s12] =	ssyncset.done $0x0  }
0x3f: {  	[sflag:s12] =	ssyncadd.s32 $0xFFFFFF80  }
0x40: {  	[tilespmem:s14], [sflag:$0x1] =	stream.indirect.gather [hbm4b:s4+s13], $0x80, s3, s13, $0xb8;
	[tilespmem:$0x18100] =	vst v63  }
0x41: {  	_ =	swait.ge [sflag:s15], $0x4000  }
0x42: {  	[sflag:s15] =	ssyncset.done $0x0  }
0x43: {  	[sflag:s15] =	ssyncadd.s32 $0xFFFFC000  }
0x44: {  	[spmem:s2] =	stream.indirect.scatter.add.f32 [tilespmem:s14], [sflag:$0x2], $0x80, s13, s13, $0xb8;
	[tilespmem:$0x18100] =	vst v63  }
0x45: {  	_ =	swait.ge [sflag:s12], $0x4000  }
0x46: {  	s16 =	sadd.s32 $0x1, s16;
	[sflag:s12] =	ssyncset.done $0x0  }
0x47: {  	p0 =	sne.s32 s16, s8;
	[sflag:s12] =	ssyncadd.s32 $0xFFFFC000  }
.Ltmp1:
0x48: {  	[bflag:$0x0] =	sbarrier.arrive $0xFFFF;
	(pc) =	sbr.rel @p0 .LBB2_1-.Ltmp1, $4  }
0x49: {  	[hbm:s7], [sflag:s6] =	dma.local [spmem:s11], $0x2800  }
0x4a: {  	_ =	swait.ge [sflag:s12], $0x2800  }
0x4b: {  	[sflag:s12] =	ssyncset.done $0x0  }
0x4c: {  	[sflag:s12] =	ssyncadd.s32 $0xFFFFD800  }
0x4d: {  	_ =	sfence.sel $0x180000  }
0x4e: {  	[bflag:$0x0] =	sbarrier.arrive $0xFFFF  }
0x4f: {  	p0 =	sne.s32 s1, $0x0;
	_ =	strace $0x9000004D  }
0x50: {  	s0 =	sadd.s32 @!p0 $0x100000, s0;
	[bflag:$0x2] =	sbarrier.arrive $0xFFFF  }
0x51: {  	[sflag:s0] =	ssyncadd.tile.s32 @!p0 $0x1;
	_ =	shalt  }
.Lfunc_end2:
_tile_overlayer_lowered:
.L_overlay_start_2:
0x52: {  	(tag) =	ssettag $0x2  }
0x53: {  	s0 =	rddreg [dreg:$0x0];
	s2 =	stileid.u32  }
0x54: {  	s1 =	rddreg [dreg:$0x1];
	p0 =	sne.s32 s2, $0x0  }
0x55: {  	s3 =	rddreg [dreg:$0x2];
	[bflag:$0x3] =	sbarrier.arrive $0xFFFF;
	s2 =	simm.s32 @!p0 $0x1C02  }
0x56: {  	[timem:s3], [sflag:s2] =	dma.local @!p0 [hbm:s0], s1  }
0x57: {  	s0 =	simm.s32 @!p0 $0x2  }
0x58: {  	_ =	swait.ge @!p0 [sflag:s0], s1  }
0x59: {  	s1 =	ssub.s32 @!p0 $0x0, s1;
	[sflag:s0] =	ssyncset.done @!p0 $0x0  }
0x5a: {  	[sflag:s0] =	ssyncadd.s32 @!p0 s1  }
0x5b: {  	[bflag:$0x3] =	sbarrier.arrive $0xFFFF  }
0x5c: {  	_ =	shalt  }

// kernel: kernel.9.cloned.1.call-start
scs
__scs_entry_jumppad:
0x0: {  	(pc) =	sbr.rel $0x88, $3  }
0x1: {  	(tag) =	ssettag $0x0;
	lr =	simm.s32 $0x1  }
0x2: {  	[smem:$0x3F99] =	sst lr;
	_ =	strace $0xD0000000  }
0x3: {  	_ = 	snop  }
0x4: {  	_ = 	snop  }
0x5: {  	_ = 	snop  }
0x6: {  	_ = 	snop  }
0x7: {  	_ = 	snop  }
__scs_overlays_trampoline_lowered:
0x8: {  	[smem:$0x3FA8] =	sst s0  }
0x9: {  	[smem:$0x3FA9] =	sst s1  }
0xa: {  	[smem:$0x3FAA] =	sst s2  }
0xb: {  	[smem:$0x3FAB] =	sst s3  }
0xc: {  	[smem:$0x3FAC] =	sst s4  }
0xd: {  	[smem:$0x3FAD] =	sst s5  }
0xe: {  	[smem:$0x3FAE] =	sst s6  }
0xf: {  	[smem:$0x3FAF] =	sst s7  }
0x10: {  	[smem:$0x3FB0] =	sst s8  }
0x11: {  	[smem:$0x3FB1] =	sst s9;
	s0 =	simm.s32 @!p0 $0x0  }
0x12: {  	s1 =	sld [smem:$0x3F97];
	s0 =	simm.s32 @p0 $0x1  }
0x13: {  	[smem:$0x3FB2] =	sst s0;
	s0 =	simm.s32 @!p1 $0x0  }
0x14: {  	s2 =	sld [smem:$0x3F96];
	s0 =	simm.s32 @p1 $0x1  }
0x15: {  	[smem:$0x3FB3] =	sst s0;
	s0 =	simm.s32 @!p2 $0x0  }
0x16: {  	s3 =	sld [smem:$0x3FDB];
	s0 =	simm.s32 @p2 $0x1  }
0x17: {  	s4 =	simm.s32 $0x1BF5;
	[smem:$0x3FB5] =	sst s0  }
0x18: {  	s0 =	sld [smem:$0x3F98];
	_ =	swait.ge [sflag:s4], $0x0  }
0x19: {  	s7 =	sld [smem:$0x3F99]  }
0x1a: {  	s8 =	sadd.s32 $0xFFFFE003, lr  }
0x1b: {  	s9 =	sadd.s32 $0xFFFFFEF7, lr;
	s5 =	simm.s32 $0xFFFFFFFF;
	p2 =	slt.u32 s8, $0xFFFFF086  }
0x1c: {  	p1 =	slt.u32 s9, $0xF7A;
	s5 =	simm.s32 @!p2 $0x0  }
0x1d: {  	s5 =	simm.s32 @p1 $0x1;
	p0 =	seq.s32 s7, s2  }
0x1e: {  	s7 =	smul.u32 @!p0 $0xF7A, s2;
	p2 =	seq.s32 @!p0 s5, $0x0  }
0x1f: {  	s9 =	smul.u32 $0xF7A, s1;
	s8 =	simm.s32 @!p0 $0x1BF5;
	p2 =	por !p2, p0  }
0x20: {  	[sflag:s8] =	ssyncset.s32 @!p0 $0xFFFFF086;
	s6 =	sadd.s32 @!p0 s3, s7;
	s7 =	simm.s32 @!p0 $0x108  }
0x21: {  	s3 =	sadd.s32 s3, s9;
	s6 =	sadd.s32 @!p0 $0x88, s6;
	s7 =	simm.s32 @p2 $0x1082  }
0x22: {  	[simem:s7], [sflag:s8] =	dma.local @!p0 [hbm:s6], $0xF7A  }
0x23: {  	s9 =	sor.u32 $0xD0000000, s2;
	s6 =	simm.s32 $0x108;
	_ =	swait.ge @!p0 [sflag:s8], $0x0  }
0x24: {  	s3 =	sadd.s32 $0x88, s3;
	s6 =	simm.s32 @!p1 $0x1082;
	[sflag:s4] =	ssyncset.s32 $0xFFFFF086  }
0x25: {  	[simem:s6], [sflag:s4] =	dma.local [hbm:s3], $0xF7A  }
0x26: {  	[smem:$0x3F99] =	sst s1;
	(tag) =	ssettag s2;
	_ =	strace s9  }
0x27: {  	s1 =	sld [smem:$0x3FA9]  }
0x28: {  	s2 =	sld [smem:$0x3FAA]  }
0x29: {  	s4 =	sld [smem:$0x3FAC]  }
0x2a: {  	p0 =	seq.s32 s5, $0x0;
	s5 =	sld [smem:$0x3FAD]  }
0x2b: {  	s6 =	sld [smem:$0x3FAE]  }
0x2c: {  	s7 =	sld [smem:$0x3FAF]  }
0x2d: {  	s3 =	simm.s32 $0x108;
	s8 =	sld [smem:$0x3FB0]  }
0x2e: {  	s3 =	simm.s32 @!p0 $0x1082;
	s9 =	sld [smem:$0x3FB1]  }
0x2f: {  	lr =	sadd.s32 s0, s3;
	s0 =	sld [smem:$0x3FA8]  }
0x30: {  	s3 =	sld [smem:$0x3FAB]  }
0x31: {  	[smem:$0x3FB4] =	sst s10  }
0x32: {  	s10 =	sld [smem:$0x3FB2];
	_ =	sdelay $0x3  }
0x33: {  	p0 =	seq.s32 s10, $0x1;
	s10 =	sld [smem:$0x3FB4];
	_ =	sdelay $0x3  }
0x34: {  	[smem:$0x3FB4] =	sst s10  }
0x35: {  	s10 =	sld [smem:$0x3FB3];
	_ =	sdelay $0x3  }
0x36: {  	p1 =	seq.s32 s10, $0x1;
	s10 =	sld [smem:$0x3FB4];
	_ =	sdelay $0x3  }
0x37: {  	[smem:$0x3FB4] =	sst s10  }
0x38: {  	s10 =	sld [smem:$0x3FB5]  }
0x39: {  	_ = 	snop;
	(pc) =	sbr.ind lr, $3  }
0x3a: {  	_ = 	snop  }
0x3b: {  	_ = 	snop  }
0x3c: {  	p2 =	seq.s32 s10, $0x1;
	s10 =	sld [smem:$0x3FB4]  }
0x3d: {  	_ =	shalt  }
0x3e: {  	_ =	shalt  }
0x3f: {  	_ =	shalt  }
0x40: {  	_ =	shalt  }
0x41: {  	_ =	shalt  }
0x42: {  	_ =	shalt  }
0x43: {  	_ =	shalt  }
0x44: {  	_ =	shalt  }
0x45: {  	_ =	shalt  }
0x46: {  	_ =	shalt  }
0x47: {  	_ =	shalt  }
0x48: {  	_ =	shalt  }
0x49: {  	_ =	shalt  }
0x4a: {  	_ =	shalt  }
0x4b: {  	_ =	shalt  }
0x4c: {  	_ =	shalt  }
0x4d: {  	_ =	shalt  }
0x4e: {  	_ =	shalt  }
0x4f: {  	_ =	shalt  }
0x50: {  	_ =	shalt  }
0x51: {  	_ =	shalt  }
0x52: {  	_ =	shalt  }
0x53: {  	_ =	shalt  }
0x54: {  	_ =	shalt  }
0x55: {  	_ =	shalt  }
0x56: {  	_ =	shalt  }
0x57: {  	_ =	shalt  }
0x58: {  	_ =	shalt  }
0x59: {  	_ =	shalt  }
0x5a: {  	_ =	shalt  }
0x5b: {  	_ =	shalt  }
0x5c: {  	_ =	shalt  }
0x5d: {  	_ =	shalt  }
0x5e: {  	_ =	shalt  }
0x5f: {  	_ =	shalt  }
0x60: {  	_ =	shalt  }
0x61: {  	_ =	shalt  }
0x62: {  	_ =	shalt  }
0x63: {  	_ =	shalt  }
0x64: {  	_ =	shalt  }
0x65: {  	_ =	shalt  }
0x66: {  	_ =	shalt  }
0x67: {  	_ =	shalt  }
0x68: {  	_ =	shalt  }
0x69: {  	_ =	shalt  }
0x6a: {  	_ =	shalt  }
0x6b: {  	_ =	shalt  }
0x6c: {  	_ =	shalt  }
0x6d: {  	_ =	shalt  }
0x6e: {  	_ =	shalt  }
0x6f: {  	_ =	shalt  }
0x70: {  	_ =	shalt  }
0x71: {  	_ =	shalt  }
0x72: {  	_ =	shalt  }
0x73: {  	_ =	shalt  }
0x74: {  	_ =	shalt  }
0x75: {  	_ =	shalt  }
0x76: {  	_ =	shalt  }
0x77: {  	_ =	shalt  }
0x78: {  	_ =	shalt  }
0x79: {  	_ =	shalt  }
0x7a: {  	_ =	shalt  }
0x7b: {  	_ =	shalt  }
0x7c: {  	_ =	shalt  }
0x7d: {  	_ =	shalt  }
0x7e: {  	_ =	shalt  }
0x7f: {  	_ =	shalt  }
0x80: {  	_ =	shalt  }
0x81: {  	_ =	shalt  }
0x82: {  	_ =	shalt  }
0x83: {  	_ =	shalt  }
0x84: {  	_ =	shalt  }
0x85: {  	_ =	shalt  }
0x86: {  	_ =	shalt  }
0x87: {  	_ =	shalt  }
.Lfunc_end0:
.L_simem_size_0:
called_computation_lowered:
.L_overlay_start_0:
0x88: {  	s2 =	sld [smem:$0x3FD9]  }
0x89: {  	s3 =	sld [smem:$0x3FFE];
	_ =	sdelay $0x1  }
0x8a: {  	s1 =	srdreg.scid  }
0x8b: {  	s0 =	sand.u32 $0x1, s1  }
0x8c: {  	s17 =	sshll.u32 s0, $0xA;
	s2 =	sadd.s32 s3, s2  }
0x8d: {  	s2 =	sadd.s32 s2, s17  }
0x8e: {  	[smem:$0x3FC0] =	sst s2  }
0x8f: {  	_ = 	snop  }
0x90: {  	s2 =	sld [smem:$0x3FD0];
	(tm) =	ssettm $0x1  }
0x91: {  	s18 =	sld [smem:$0x3FFB];
	_ =	sdelay $0x3  }
0x92: {  	_ =	strace s18  }
0x93: {  	s3 =	sld [smem:$0x3FFC];
	_ =	sdelay $0x3  }
0x94: {  	_ =	strace s3  }
0x95: {  	s3 =	sld [smem:$0x3FFD];
	_ =	sdelay $0x3  }
0x96: {  	_ =	strace s3  }
0x97: {  	_ =	strace $0x8FFFFFFF  }
0x98: {  	s19 =	sld [smem:$0x3FDB];
	_ =	sdelay $0x1  }
0x99: {  	s4 =	simm.s32 $_scs_section_size  }
0x9a: {  	s5 =	simm.s32 $_size__tile_overlayer_lowered;
	s6 =	simm.s32 $_tile_overlayer_lowered  }
0x9b: {  	s22 =	simm.s32 $0x1BFF;
	s21 =	sshll.u32 s6, $0x1;
	s3 =	sadd.s32 s4, s19  }
0x9c: {  	s7 =	simm.s32 $0x0;
	s20 =	sshll.u32 s5, $0x1;
	s5 =	sadd.s32 s21, s3  }
0x9d: {  	[timem:s7], [sflag:s22] =	dma.local [hbm:s5], s20  }
0x9e: {  	_ =	swait.ge [sflag:s22], s20  }
0x9f: {  	s4 =	ssub.s32 $0x0, s20;
	[sflag:s22] =	ssyncset.done $0x0  }
0xa0: {  	[sflag:s22] =	ssyncadd.s32 s4;
	_ =	sdelay $0x1  }
0xa1: {  	s23 =	simm.s32 $0x1B8B  }
0xa2: {  	_ =	swait.ge [sflag:s23], $0x1  }
0xa3: {  	[sflag:s23] =	ssyncset.done $0x0  }
0xa4: {  	s25 =	simm.s32 $0x1B8E;
	s24 =	sld [smem:$0x3FFE];
	[sflag:s23] =	ssyncadd.s32 $0xFFFFFFFF  }
0xa5: {  	s26 =	simm.s32 $execute0_lowered;
	[smem:$0x3FD2] =	sst s25  }
0xa6: {  	s5 =	sshll.u32 s26, $0x1;
	_ =	strace $0x80000046;
	[dreg:$0x1] =	wrdreg $0xFFFFFFFF  }
0xa7: {  	s28 =	simm.s32 $_size_execute0_lowered;
	s3 =	sadd.s32 s3, s5;
	[dreg:$0x0] =	wrdreg $0x0  }
0xa8: {  	s5 =	sshll.u32 s28, $0x1;
	[dreg:$0x2] =	wrdreg s3  }
0xa9: {  	[dreg:$0x3] =	wrdreg s5  }
0xaa: {  	[dreg:$0x4] =	wrdreg $0xC0  }
0xab: {  	_ =	task [dreg:s7], $0x5FFFF  }
0xac: {  	[dreg:$0x1] =	wrdreg $0xFFFFFFFF  }
0xad: {  	[dreg:$0x0] =	wrdreg $0x60  }
0xae: {  	[dreg:$0x2] =	wrdreg s2  }
0xaf: {  	[dreg:$0x3] =	wrdreg s24  }
0xb0: {  	[dreg:$0x4] =	wrdreg $0x40800  }
0xb1: {  	[dreg:$0x5] =	wrdreg $0x9  }
0xb2: {  	_ =	task.clear_ibuf [dreg:s7], $0x6FFFF;
	_ =	strace $0x90000046  }
0xb3: {  	s29 =	simm.s32 $0x9;
	_ =	strace $0x80000048  }
0xb4: {  	_ =	swait.ge [sflag:s29], $0x1  }
0xb5: {  	[sflag:s29] =	ssyncadd.s32 $0xFFFFFFFF  }
0xb6: {  	_ =	strace $0x90000048  }
0xb7: {  	_ =	sfence  }
0xb8: {  	s30 =	sld [smem:$0x0];
	_ =	sdelay $0x2  }
0xb9: {  	s31 =	sshll.u32 s1, $0xD;
	s1 =	sshrl.u32 s1, $0x2  }
0xba: {  	s3 =	sand.u32 $0x4000, s31;
	s1 =	sadd.s32 s1, s30  }
0xbb: {  	s0 =	sor.u32 s3, s0;
	s1 =	sshll.u32 s1, $0x11  }
0xbc: {  	s0 =	sor.u32 s1, s0  }
0xbd: {  	s0 =	sadd.s32 $0x8F2B, s0  }
0xbe: {  	[sflag:s0] =	ssyncadd.remote.s32 $0x1  }
0xbf: {  	_ =	sfence.sel $0xFFFF  }
0xc0: {  	[dreg:$0x0] =	wrdreg $0xFFFFFFFF;
	(pc) =	sbr.abs _section_cstart, $3  }
0xc1: {  	[dreg:$0x1] =	wrdreg $0xFFFFFFFF  }
0xc2: {  	_ =	task.clear_ibuf [dreg:s7], $0x2FFFF;
	_ =	strace $0x9FFFFFFF  }
0xc3: {  	(tm) =	ssettm $0x7FFFFFFF  }
tec
execute0_lowered:
.L_overlay_start_1:
0x0: {  	(tag) =	ssettag $0x1  }
0x1: {  	s6 =	rddreg [dreg:$0x0]  }
0x2: {  	s5 =	rddreg [dreg:$0x1]  }
0x3: {  	s2 =	rddreg [dreg:$0x2]  }
0x4: {  	s0 =	rddreg [dreg:$0x3];
	s1 =	stileid.u32  }
0x5: {  	s4 =	srdreg.scid;
	s7 =	smul.u32 $0x14000, s1  }
0x6: {  	s3 =	simm.s32 $0x0;
	s8 =	sand.u32 $0x1, s4;
	s11 =	smul.u32 $0x50000, s1  }
0x7: {  	[smem:$0x7FF] =	sst s3;
	s4 =	sadd.s32 $0x2A000, s5;
	s12 =	smul.u32 $0x9E0, s1  }
0x8: {  	s31 =	sshll.u32 s1, $0x6;
	s9 =	smul.u32 $0x140000, s8;
	_ =	strace $0x80000047  }
0x9: {  	s26 =	ssub.s32 $0x2, s8;
	s8 =	smul.u32 $0x4F0, s8;
	s10 =	sshrl.u32 s7, $0x3  }
0xa: {  	s28 =	sshrl.u32 s26, $0x1;
	s29 =	sshrl.u32 s11, $0x2;
	s30 =	sadd.s32 s12, s6  }
0xb: {  	s11 =	sor.u32 $0x1C01, s31;
	s10 =	sadd.s32 s10, s5;
	s7 =	sadd.s32 s7, s9  }
0xc: {  	s9 =	ssub.s32 s26, s28;
	s13 =	sadd.s32 s29, s2;
	s8 =	sadd.s32 s8, s30  }
0xd: {  	s7 =	sshrl.u32 s7, $0x3;
	s12 =	sshrl.u32 s13, $0x3;
	s13 =	simm.s32 $0x0  }
0xe: {  	s7 =	sadd.s32 s7, s5;
	s5 =	sadd.s32 $0x2000, s10;
	s10 =	simm.s32 $0x1  }
0xf: {  	s6 =	sadd.s32 $0x2A800, s7;
	s7 =	smax.u32 s9, $0x1;
	s9 =	simm.s32 $0x80  }
.LBB2_1:
0x10: {  	[tilespmem:s9], [sflag:$0x1] =	stream.linear.gather [hbm4b:s4+s3], $0x4000, $0x38;
	[tilespmem:$0x6880] =	vst v63  }
0x11: {  	_ =	swait.ge [sflag:s10], $0x4000  }
0x12: {  	[sflag:s10] =	ssyncset.done $0x0  }
0x13: {  	[sflag:s10] =	ssyncadd.s32 $0xFFFFC000  }
0x14: {  	[spmem:s12], [sflag:s11] =	dma.local [hbm:s5], $0x2800  }
0x15: {  	_ =	swait.ge [sflag:s10], $0x2800  }
0x16: {  	[sflag:s10] =	ssyncset.done $0x0  }
0x17: {  	[sflag:s10] =	ssyncadd.s32 $0xFFFFD800  }
0x18: {  	s14 =	sadd.s32 $0x0, s8;
	[bflag:$0x0] =	sbarrier.arrive $0xFFFF  }
0x19: {  	[tilespmem:s3], [sflag:$0x1] =	stream.linear.gather [hbm4b:s14+s3], $0x80, $0x38;
	[tilespmem:$0x6880] =	vst v63  }
0x1a: {  	_ =	swait.ge [sflag:s10], $0x80  }
0x1b: {  	[sflag:s10] =	ssyncset.done $0x0  }
0x1c: {  	[sflag:s10] =	ssyncadd.s32 $0xFFFFFF80  }
0x1d: {  	[spmem:s2] =	stream.indirect.scatter.add.f32 [tilespmem:s9], [sflag:$0x1], $0x10, s3, s9, $0xb8;
	[tilespmem:$0x6880] =	vst v63  }
0x1e: {  	_ =	swait.ge [sflag:s10], $0x800  }
0x1f: {  	s15 =	simm.s32 $0x20;
	s14 =	simm.s32 $0x10;
	[sflag:s10] =	ssyncset.done $0x0  }
.LBB2_2:
0x20: {  	s16 =	sadd.s32 s14, s8  }
0x21: {  	[sflag:s10] =	ssyncadd.s32 $0xFFFFF800;
	s14 =	smov.u32 s15;
	s17 =	sadd.s32 $0x10, s15  }
0x22: {  	[tilespmem:s3], [sflag:$0x1] =	stream.linear.gather [hbm4b:s16+s3], $0x80, $0x38;
	[tilespmem:$0x6880] =	vst v63  }
0x23: {  	p0 =	sne.s32 s15, $0x4E0;
	_ =	swait.ge [sflag:s10], $0x80  }
.Ltmp0:
0x24: {  	[sflag:s10] =	ssyncset.done $0x0;
	(pc) =	sbr.rel @p0 .LBB2_2-.Ltmp0, $4  }
0x25: {  	[sflag:s10] =	ssyncadd.s32 $0xFFFFFF80  }
0x26: {  	[spmem:s2] =	stream.indirect.scatter.add.f32 [tilespmem:s9], [sflag:$0x1], $0x10, s3, s9, $0xb8;
	[tilespmem:$0x6880] =	vst v63  }
0x27: {  	_ =	swait.ge [sflag:s10], $0x800  }
0x28: {  	s15 =	smov.u32 s17;
	[sflag:s10] =	ssyncset.done $0x0  }
0x29: {  	s14 =	sadd.s32 s14, s8;
	[sflag:s10] =	ssyncadd.s32 $0xFFFFF800  }
0x2a: {  	[tilespmem:s3], [sflag:$0x1] =	stream.linear.gather [hbm4b:s14+s3], $0x80, $0x38;
	[tilespmem:$0x6880] =	vst v63  }
0x2b: {  	_ =	swait.ge [sflag:s10], $0x80  }
0x2c: {  	[sflag:s10] =	ssyncset.done $0x0  }
0x2d: {  	[sflag:s10] =	ssyncadd.s32 $0xFFFFFF80  }
0x2e: {  	[spmem:s2] =	stream.indirect.scatter.add.f32 [tilespmem:s9], [sflag:$0x1], $0x10, s3, s9, $0xb8;
	[tilespmem:$0x6880] =	vst v63  }
0x2f: {  	_ =	swait.ge [sflag:s10], $0x800  }
0x30: {  	s13 =	sadd.s32 $0x1, s13;
	[sflag:s10] =	ssyncset.done $0x0  }
0x31: {  	p0 =	sne.s32 s13, s7;
	[sflag:s10] =	ssyncadd.s32 $0xFFFFF800  }
.Ltmp1:
0x32: {  	[bflag:$0x0] =	sbarrier.arrive $0xFFFF;
	(pc) =	sbr.rel @p0 .LBB2_1-.Ltmp1, $4  }
0x33: {  	[hbm:s6], [sflag:s11] =	dma.local [spmem:s12], $0x2800  }
0x34: {  	_ =	swait.ge [sflag:s10], $0x2800  }
0x35: {  	[sflag:s10] =	ssyncset.done $0x0  }
0x36: {  	[sflag:s10] =	ssyncadd.s32 $0xFFFFD800  }
0x37: {  	_ =	sfence.sel $0x180000  }
0x38: {  	[bflag:$0x0] =	sbarrier.arrive $0xFFFF  }
0x39: {  	p0 =	sne.s32 s1, $0x0;
	_ =	strace $0x90000047  }
0x3a: {  	s0 =	sadd.s32 @!p0 $0x100000, s0;
	[bflag:$0x2] =	sbarrier.arrive $0xFFFF  }
0x3b: {  	[sflag:s0] =	ssyncadd.tile.s32 @!p0 $0x1;
	_ =	shalt  }
.Lfunc_end2:
_tile_overlayer_lowered:
.L_overlay_start_2:
0x3c: {  	(tag) =	ssettag $0x2  }
0x3d: {  	s0 =	rddreg [dreg:$0x0];
	s2 =	stileid.u32  }
0x3e: {  	s1 =	rddreg [dreg:$0x1];
	p0 =	sne.s32 s2, $0x0  }
0x3f: {  	s3 =	rddreg [dreg:$0x2];
	[bflag:$0x3] =	sbarrier.arrive $0xFFFF;
	s2 =	simm.s32 @!p0 $0x1C01  }
0x40: {  	[timem:s3], [sflag:s2] =	dma.local @!p0 [hbm:s0], s1  }
0x41: {  	s0 =	simm.s32 @!p0 $0x1  }
0x42: {  	_ =	swait.ge @!p0 [sflag:s0], s1  }
0x43: {  	s1 =	ssub.s32 @!p0 $0x0, s1;
	[sflag:s0] =	ssyncset.done @!p0 $0x0  }
0x44: {  	[sflag:s0] =	ssyncadd.s32 @!p0 s1  }
0x45: {  	[bflag:$0x3] =	sbarrier.arrive $0xFFFF  }
0x46: {  	_ =	shalt  }

</sc_bundles>
